<compile_context>
chip_gen: v7x
topology: tpu7x:2x2x1
jax: 0.10.2.dev20260603
libtpu: 0.0.44.dev20260713+nightly
codegen_flags: <defaults>
</compile_context>

<pallas_src>
import functools
import math

import jax
import jax.numpy as jnp
from jax import lax
from jax.experimental import pallas as pl
from jax.experimental.pallas import tpu as pltpu
from jax.experimental.pallas import tpu_sc as plsc

NUM_PROJS = 7
BLK = 256
SAMPLE = 256
N = 4096
D = 64
NBUCKETS = 128
CHUNK = 256
NCHUNKS = N // CHUNK


RCH = 128


def _rank_kernel(x_ref, p_ref, pos_ref, oh_ref, posf_ref):
    lane = jax.lax.broadcasted_iota(jnp.int32, (CHUNK, NBUCKETS), 1)
    encf = jnp.where(lane < NUM_PROJS, jnp.exp2(lane.astype(jnp.float32)), 0.0)

    def hash_body(c, t_carry):
        xc = x_ref[0, pl.ds(c * CHUNK, CHUNK), :]
        s = jnp.dot(xc, p_ref[...], preferred_element_type=jnp.float32)
        binf = jnp.sum(jnp.where(s > 0.0, encf, 0.0), axis=1, keepdims=True)
        bin_i = binf.astype(jnp.int32)
        hsh = bin_i ^ (bin_i >> 1)
        oh = (hsh == lane).astype(jnp.float32)
        oh_ref[pl.ds(c * CHUNK, CHUNK), :] = oh.astype(jnp.bfloat16)
        return t_carry + jnp.sum(oh, axis=0, keepdims=True)

    total = jax.lax.fori_loop(0, NCHUNKS, hash_body,
                              jnp.zeros((1, NBUCKETS), jnp.float32))
    iu = jax.lax.broadcasted_iota(jnp.int32, (NBUCKETS, NBUCKETS), 0)
    iw = jax.lax.broadcasted_iota(jnp.int32, (NBUCKETS, NBUCKETS), 1)
    cex = jnp.dot(total, (iu < iw).astype(jnp.float32),
                  preferred_element_type=jnp.float32)

    r0 = jax.lax.broadcasted_iota(jnp.int32, (RCH, RCH), 0)
    c0 = jax.lax.broadcasted_iota(jnp.int32, (RCH, RCH), 1)
    ltri = (c0 < r0).astype(jnp.bfloat16)

    def rank_body(c, r_carry):
        oh = oh_ref[pl.ds(c * RCH, RCH), :]
        within = jnp.dot(ltri, oh, preferred_element_type=jnp.float32)
        oh32 = oh.astype(jnp.float32)
        tot = within + cex + r_carry
        posc = jnp.sum(tot * oh32, axis=1, keepdims=True)
        posf_ref[pl.ds(c * RCH, RCH), :] = posc
        return r_carry + jnp.sum(oh32, axis=0, keepdims=True)

    jax.lax.fori_loop(0, N // RCH, rank_body,
                      jnp.zeros((1, NBUCKETS), jnp.float32))
    pos_ref[0] = posf_ref[...].astype(jnp.int32).reshape(N // 128, 128)


def _ranks(x, proj):
    bh = x.shape[0]
    out = pl.pallas_call(
        _rank_kernel,
        grid=(bh,),
        in_specs=[
            pl.BlockSpec((1, N, D), lambda r: (r, 0, 0)),
            pl.BlockSpec((D, NBUCKETS), lambda r: (0, 0)),
        ],
        out_specs=pl.BlockSpec((1, N // 128, 128), lambda r: (r, 0, 0)),
        out_shape=jax.ShapeDtypeStruct((bh, N // 128, 128), jnp.int32),
        scratch_shapes=[
            pltpu.VMEM((N, NBUCKETS), jnp.bfloat16),
            pltpu.VMEM((N, 1), jnp.float32),
        ],
    )(x, proj)
    return out.reshape(bh, N)


def _attn_kernel(q_ref, k_ref, v_ref, ks_ref, vs_ref, o_ref):
    scale = D ** (-0.5)
    logw = math.log(float(N) / float(SAMPLE))
    bf = jnp.bfloat16
    q = q_ref[0].astype(bf)
    qk1 = jax.lax.dot_general(q, k_ref[0].astype(bf), (((1,), (1,)), ((), ())),
                              preferred_element_type=jnp.float32) * scale
    qk2 = jax.lax.dot_general(q, ks_ref[0].astype(bf), (((1,), (1,)), ((), ())),
                              preferred_element_type=jnp.float32) * scale + logw
    m = jnp.maximum(jnp.max(qk1, axis=1, keepdims=True),
                    jnp.max(qk2, axis=1, keepdims=True))
    p1 = jnp.exp(qk1 - m)
    p2 = jnp.exp(qk2 - m)
    den = jnp.sum(p1, axis=1, keepdims=True) + jnp.sum(p2, axis=1, keepdims=True)
    u = (jnp.dot(p1.astype(bf), v_ref[0].astype(bf),
                 preferred_element_type=jnp.float32)
         + jnp.dot(p2.astype(bf), vs_ref[0].astype(bf),
                   preferred_element_type=jnp.float32))
    o_ref[0] = u / den


def _attention(qs, ks, vs, ksub, vsub):
    bh = qs.shape[0]
    ng = N // BLK
    return pl.pallas_call(
        _attn_kernel,
        grid=(bh, ng),
        in_specs=[
            pl.BlockSpec((1, BLK, D), lambda r, g: (r, g, 0)),
            pl.BlockSpec((1, BLK, D), lambda r, g: (r, g, 0)),
            pl.BlockSpec((1, BLK, D), lambda r, g: (r, g, 0)),
            pl.BlockSpec((1, SAMPLE, D), lambda r, g: (r, 0, 0)),
            pl.BlockSpec((1, SAMPLE, D), lambda r, g: (r, 0, 0)),
        ],
        out_specs=pl.BlockSpec((1, BLK, D), lambda r, g: (r, g, 0)),
        out_shape=jax.ShapeDtypeStruct((bh, N, D), jnp.float32),
    )(qs, ks, vs, ksub, vsub)


BH = 32
NCH = N // 128


def _sc_permute_kernel(q_hbm, k_hbm, v_hbm, pq_hbm, pk_hbm, pkl_hbm, sp_hbm,
                       qs_hbm, ks_hbm, vs_hbm, ksub_hbm, vsub_hbm,
                       posq_v, posk_v, pokl_v, samp_v, sidx_v, kidx_v,
                       buf_v, sub_v, sem, sem2):
    wid = lax.axis_index("c") * 16 + lax.axis_index("s")
    base = wid * N
    pltpu.sync_copy(pq_hbm.at[wid], posq_v)
    pltpu.sync_copy(pk_hbm.at[wid], posk_v)
    pltpu.sync_copy(pkl_hbm.at[pl.ds(base, N)], pokl_v)
    pltpu.sync_copy(sp_hbm.at[pl.ds(wid * SAMPLE, SAMPLE)], samp_v)

    def scatter_one(src, dst, posv):
        def body(c):
            pltpu.sync_copy(src.at[pl.ds(base + c * 128, 128)], buf_v)
            pltpu.async_copy(buf_v, dst.at[posv.at[c]], sem).wait()
        return body

    for src, dst, posv in ((q_hbm, qs_hbm, posq_v),
                           (k_hbm, ks_hbm, posk_v),
                           (v_hbm, vs_hbm, posk_v)):
        pl.loop(0, NCH)(scatter_one(src, dst, posv))

    @pl.loop(0, N // 16)
    def inv_body(j):
        p16 = pokl_v[pl.ds(j * 16, 16)]
        plsc.store_scatter(sidx_v, [p16], j * 16 + lax.iota(jnp.int32, 16))

    @pl.loop(0, SAMPLE // 16)
    def kidx_body(t):
        s16 = samp_v[pl.ds(t * 16, 16)]
        g16 = plsc.load_gather(sidx_v, [s16])
        kidx_v[t // 8, pl.ds((t % 8) * 16, 16)] = g16 + base

    for src, dst in ((k_hbm, ksub_hbm), (v_hbm, vsub_hbm)):
        @pl.loop(0, 2)
        def sub_body(hh, src=src, dst=dst):
            pltpu.async_copy(src.at[kidx_v.at[hh]], sub_v, sem2).wait()
            pltpu.sync_copy(sub_v, dst.at[pl.ds(wid * SAMPLE + hh * 128, 128)])


def _sc_permute(q, k, v, pos_qg, pos_kg, pos_kl, samp):
    f32 = jnp.float32
    run = pl.kernel(
        _sc_permute_kernel,
        mesh=plsc.VectorSubcoreMesh(core_axis_name="c", subcore_axis_name="s"),
        compiler_params=pltpu.CompilerParams(needs_layout_passes=False,
                                             use_tc_tiling_on_sc=False),
        out_type=(
            jax.ShapeDtypeStruct((BH * N, D), f32),
            jax.ShapeDtypeStruct((BH * N, D), f32),
            jax.ShapeDtypeStruct((BH * N, D), f32),
            jax.ShapeDtypeStruct((BH * SAMPLE, D), f32),
            jax.ShapeDtypeStruct((BH * SAMPLE, D), f32),
        ),
        scratch_types=[
            pltpu.VMEM((NCH, 128), jnp.int32),
            pltpu.VMEM((NCH, 128), jnp.int32),
            pltpu.VMEM((N,), jnp.int32),
            pltpu.VMEM((SAMPLE,), jnp.int32),
            pltpu.VMEM((N,), jnp.int32),
            pltpu.VMEM((2, 128), jnp.int32),
            pltpu.VMEM((128, D), f32),
            pltpu.VMEM((128, D), f32),
            pltpu.SemaphoreType.DMA,
            pltpu.SemaphoreType.DMA,
        ],
    )
    return run(q, k, v, pos_qg, pos_kg, pos_kl, samp)


def _sc_unsort_kernel(a_hbm, pq_hbm, out_hbm, posq_v, buf_v, sem):
    wid = lax.axis_index("c") * 16 + lax.axis_index("s")
    base = wid * N
    pltpu.sync_copy(pq_hbm.at[wid], posq_v)

    @pl.loop(0, NCH)
    def body(c):
        pltpu.async_copy(a_hbm.at[posq_v.at[c]], buf_v, sem).wait()
        pltpu.sync_copy(buf_v, out_hbm.at[pl.ds(base + c * 128, 128)])


def _sc_unsort(attns, pos_qg):
    run = pl.kernel(
        _sc_unsort_kernel,
        mesh=plsc.VectorSubcoreMesh(core_axis_name="c", subcore_axis_name="s"),
        compiler_params=pltpu.CompilerParams(needs_layout_passes=False,
                                             use_tc_tiling_on_sc=False),
        out_type=jax.ShapeDtypeStruct((BH * N, D), jnp.float32),
        scratch_types=[
            pltpu.VMEM((NCH, 128), jnp.int32),
            pltpu.VMEM((128, D), jnp.float32),
            pltpu.SemaphoreType.DMA,
        ],
    )
    return run(attns, pos_qg)


def kernel(query, key, value, proj_dir):
    b, h, n, d = query.shape
    bh = b * h
    proj = jnp.zeros((D, NBUCKETS), jnp.float32).at[:, :NUM_PROJS].set(
        proj_dir.reshape(D, NUM_PROJS))

    q = query.reshape(bh, n, d)
    k = key.reshape(bh, n, d)
    v = value.reshape(bh, n, d)

    pos_q = _ranks(q, proj)
    pos_k = _ranks(k, proj)

    row_off = jnp.arange(bh, dtype=jnp.int32)[:, None] * n
    pos_qg = (pos_q + row_off).reshape(bh, NCH, 128)
    pos_kg = (pos_k + row_off).reshape(bh, NCH, 128)
    pos_kl = pos_k.reshape(-1)

    sampled = jax.random.randint(jax.random.key(42), (b, h, SAMPLE), 0, n)
    sampled = sampled.reshape(-1).astype(jnp.int32)

    qs, ks, vs, ksub, vsub = _sc_permute(
        q.reshape(-1, d), k.reshape(-1, d), v.reshape(-1, d),
        pos_qg, pos_kg, pos_kl, sampled)

    outs = _attention(qs.reshape(bh, n, d), ks.reshape(bh, n, d),
                      vs.reshape(bh, n, d), ksub.reshape(bh, SAMPLE, d),
                      vsub.reshape(bh, SAMPLE, d))

    out = _sc_unsort(outs.reshape(-1, d), pos_qg)
    return out.reshape(b, h, n, d)

# --- scband reference (transcript-rebuilt; emitter-appended) ---
"""Pipeline reference for scband-hyper-attention-42803644072598 (READ-ONLY COPY).

The authoritative reference and input builder live on the scoring server;
editing this copy changes nothing except your own understanding.
"""

import math
import jax, jax.numpy as jnp
import numpy as np

LSH_NUM_PROJS = 7
BLOCK_SIZE = 256
SAMPLE_SIZE = 256
MIN_SEQ_LEN = 4096
INPUT_DIM = 64


def _unit_hamming_distance_array(size_n):
    a = np.array([0, 1], dtype=np.int64)
    for i in range(1, size_n):
        a = np.concatenate([a, np.flip(a) + 2 ** i], axis=0)
    return a


def setup_inputs(seed: int = 0):
    key = jax.random.key(seed)
    k1, k2, k3, k4 = jax.random.split(key, 4)
    b, h, n, d = 2, 16, 4096, 64
    query = jax.random.normal(k1, (b, h, n, d), dtype=jnp.float32)
    key_t = jax.random.normal(k2, (b, h, n, d), dtype=jnp.float32)
    value = jax.random.normal(k3, (b, h, n, d), dtype=jnp.float32)
    # AngularLSH buffer: proj_dir has shape dim + (num_projs,) = (1, 1, input_dim, num_projs)
    proj_dir = jax.random.normal(k4, (1, 1, INPUT_DIM, LSH_NUM_PROJS), dtype=jnp.float32)
    return {"query": query, "key": key_t, "value": value, "proj_dir": proj_dir}


def _lsh_hash(mat, proj_dir, perm, enc_vec):
    mask = jnp.einsum('...nd,...dr->...nr', mat, proj_dir)
    mask = (mask > 0).astype(jnp.int64)
    bin_ids = (mask * enc_vec).sum(-1)
    return perm[bin_ids]


def _indexing(x, indices):
    # x: [b,h,n,d], indices: [b,h,s] -> [b,h,s,d]
    return jnp.take_along_axis(x, indices[..., None], axis=2)


def _exact_attention(q, k, v, scale):
    qk = jnp.einsum('bhnd,bhmd->bhnm', q, k) * scale
    out = jax.nn.softmax(qk, axis=-1) @ v
    lse = jax.scipy.special.logsumexp(qk, axis=-1, keepdims=True)
    return out, lse


def _add_self_attentions(attn1, lse1, attn2, lse2):
    c = 1.0 / (1.0 + jnp.exp(lse2 - lse1))
    attn = c * attn1 + (1.0 - c) * attn2
    lse = lse1 - jnp.log(c + jnp.finfo(lse1.dtype).eps)
    return attn, lse


def _forward_no_causal_mask(query, key, value, scale, proj_dir):
    b, h, n_query, dim = query.shape
    n_key = key.shape[2]

    perm = jnp.asarray(_unit_hamming_distance_array(LSH_NUM_PROJS))
    enc_vec = (2 ** jnp.arange(LSH_NUM_PROJS, dtype=jnp.int64)).reshape(1, 1, 1, -1)

    q_hash = _lsh_hash(query, proj_dir, perm, enc_vec)
    k_hash = _lsh_hash(key, proj_dir, perm, enc_vec)
    # jnp.argsort is stable by default (matches torch.sort(..., stable=True))
    query_sort_idx = jnp.argsort(q_hash, axis=2)
    key_sort_idx = jnp.argsort(k_hash, axis=2)
    query_sort_idx_inv = jnp.argsort(query_sort_idx, axis=2)

    key_block_size = BLOCK_SIZE
    # n (=4096) divisible by block_size (=256) so no padding branch in `indexing`
    query_sorted = _indexing(query, query_sort_idx)
    key_sorted = _indexing(key, key_sort_idx)
    value_sorted = _indexing(value, key_sort_idx)

    num_blocks = key_sorted.shape[2] // key_block_size
    query_block_size = query_sorted.shape[2] // num_blocks

    q_blk = query_sorted.reshape(-1, 1, query_block_size, dim)
    k_blk = key_sorted.reshape(-1, 1, key_block_size, dim)
    v_blk = value_sorted.reshape(-1, 1, key_block_size, dim)
    attn_block, lse_block = _exact_attention(q_blk, k_blk, v_blk, scale)
    attn_block = attn_block.reshape(b, h, query_sorted.shape[2], -1)
    lse_block = lse_block.reshape(b, h, query_sorted.shape[2], -1)

    # Residual low-rank part via uniform sampling (sample_size > 0, n > block sizes)
    sample_size = SAMPLE_SIZE
    skey = jax.random.key(42)
    sampled_set = jax.random.randint(skey, (b, h, sample_size), 0, n_key)
    weights = n_key / sample_size
    value_subset = _indexing(value_sorted, sampled_set)
    key_subset = _indexing(key_sorted, sampled_set)
    # NOTE: the torch code builds a block_mask bias, but its fp32 exact_attention
    # ignores the `bias` argument, so we faithfully omit it here.
    attn_res, lse_res = _exact_attention(query_sorted, key_subset, value_subset, scale)
    lse_res = lse_res + math.log(weights)

    attn, lse = _add_self_attentions(attn_block, lse_block, attn_res, lse_res)

    attn = _indexing(attn, query_sort_idx_inv)
    lse = _indexing(lse, query_sort_idx_inv)
    return attn, lse


def reference(query, key, value, proj_dir):
    dim = key.shape[-1]
    scale = dim ** (-0.5)
    # causal=False, return_lse=False default path
    attn, lse = _forward_no_causal_mask(query, key, value, scale, proj_dir)
    return attn

if __name__ == "__main__":
    import jax
    _d = setup_inputs()
    print(jax.jit(kernel)(*tuple(_d.values())))

</pallas_src>

<mosaic_0001>
#map = affine_map<(d0, d1) -> (0, 0)>
#map1 = affine_map<(d0, d1) -> (0, 0, 0)>
module attributes {stable_mosaic.version = 14 : i64} {
  func.func @_sc_unsort_kernel(%arg0: i32, %arg1: i32, %arg2: memref<131072x64xf32, #tpu.memory_space<hbm>>, %arg3: memref<32x32x128xi32, #tpu.memory_space<hbm>>, %arg4: memref<131072x64xf32, #tpu.memory_space<hbm>>, %arg5: memref<32x128xi32, #tpu.memory_space<vmem>>, %arg6: memref<128x64xf32, #tpu.memory_space<vmem>>, %arg7: memref<!tpu.dma_semaphore, #tpu.memory_space<semaphore_mem>>) attributes {dimension_semantics = [#tpu.dimension_semantics<core_parallel>, #tpu.dimension_semantics<subcore_parallel>], iteration_bounds = array<i64: 2, 16>, scalar_prefetch = 0 : i64, scratch_operands = 3 : i64, tpu.core_type = #tpu.core_type<sc_vector_subcore>, window_params = [{transform_indices = #map}, {transform_indices = #map1}, {transform_indices = #map}]} {
    %mul3A = arith.constant 16 : i32
    %mul3A_0 = arith.muli %arg0, %mul3A : i32
    %add3A = arith.addi %mul3A_0, %arg1 : i32
    %mul3A_1 = arith.constant 4096 : i32
    %mul3A_2 = arith.muli %add3A, %mul3A_1 : i32
    "tpu.region"() ({
      %run_scoped3A = tpu.sem_alloc : memref<!tpu.dma_semaphore, #tpu.memory_space<semaphore_mem>>
      %dma_start3A = arith.constant 0 : i32
      %dma_start3A_7 = arith.constant 0 : i32
      %dma_start3A_8 = tpu.memref_slice %arg3[%add3A, %dma_start3A, %dma_start3A_7] : memref<32x32x128xi32, #tpu.memory_space<hbm>> -> memref<1x32x128xi32, #tpu.memory_space<hbm>>
      %dma_start3A_9 = tpu.memref_squeeze %dma_start3A_8 : memref<1x32x128xi32, #tpu.memory_space<hbm>> -> memref<32x128xi32, #tpu.memory_space<hbm>>
      %dma_start3A_10 = arith.constant 0 : i32
      %dma_start3A_11 = arith.constant 0 : i32
      %dma_start3A_12 = tpu.memref_slice %arg3[%add3A, %dma_start3A_10, %dma_start3A_11] : memref<32x32x128xi32, #tpu.memory_space<hbm>> -> memref<1x32x128xi32, #tpu.memory_space<hbm>>
      %dma_start3A_13 = tpu.memref_squeeze %dma_start3A_12 : memref<1x32x128xi32, #tpu.memory_space<hbm>> -> memref<32x128xi32, #tpu.memory_space<hbm>>
      tpu.enqueue_dma source(%dma_start3A_13 : memref<32x128xi32, #tpu.memory_space<hbm>>) target(%arg5 : memref<32x128xi32, #tpu.memory_space<vmem>>) target_semaphore(%run_scoped3A : memref<!tpu.dma_semaphore, #tpu.memory_space<semaphore_mem>>)
      %dma_wait3A = arith.constant 0 : i32
      %dma_wait3A_14 = arith.constant 0 : i32
      %dma_wait3A_15 = tpu.memref_slice %arg3[%add3A, %dma_wait3A, %dma_wait3A_14] : memref<32x32x128xi32, #tpu.memory_space<hbm>> -> memref<1x32x128xi32, #tpu.memory_space<hbm>>
      %dma_wait3A_16 = tpu.memref_squeeze %dma_wait3A_15 : memref<1x32x128xi32, #tpu.memory_space<hbm>> -> memref<32x128xi32, #tpu.memory_space<hbm>>
      %dma_wait3A_17 = arith.constant 0 : i32
      %dma_wait3A_18 = arith.constant 0 : i32
      %dma_wait3A_19 = tpu.memref_slice %arg3[%add3A, %dma_wait3A_17, %dma_wait3A_18] : memref<32x32x128xi32, #tpu.memory_space<hbm>> -> memref<1x32x128xi32, #tpu.memory_space<hbm>>
      %dma_wait3A_20 = tpu.memref_squeeze %dma_wait3A_19 : memref<1x32x128xi32, #tpu.memory_space<hbm>> -> memref<32x128xi32, #tpu.memory_space<hbm>>
      tpu.wait_dma2 semaphore(%run_scoped3A : memref<!tpu.dma_semaphore, #tpu.memory_space<semaphore_mem>>) src(%dma_wait3A_20 : memref<32x128xi32, #tpu.memory_space<hbm>>) dst(%arg5 : memref<32x128xi32, #tpu.memory_space<vmem>>)
      tpu.yield
    }) : () -> ()
    %scan3A = arith.constant 0 : i32
    %scan3A_3 = arith.constant 32 : i32
    %scan3A_4 = arith.addi %scan3A, %scan3A_3 : i32
    %scan3A_5 = arith.constant 1 : i32
    scf.for %scan3A_7 = %scan3A to %scan3A_4 step %scan3A_5  : i32 {
      %mul3A_8 = arith.constant 1 : i32
      %mul3A_9 = arith.muli %scan3A_7, %mul3A_8 : i32
      %add3A_10 = arith.constant 0 : i32
      %add3A_11 = arith.addi %add3A_10, %mul3A_9 : i32
      %dma_start3A = arith.constant 0 : i32
      %dma_start3A_12 = tpu.memref_slice %arg5[%add3A_11, %dma_start3A] : memref<32x128xi32, #tpu.memory_space<vmem>> -> memref<1x128xi32, #tpu.memory_space<vmem>>
      %dma_start3A_13 = tpu.memref_squeeze %dma_start3A_12 : memref<1x128xi32, #tpu.memory_space<vmem>> -> memref<128xi32, #tpu.memory_space<vmem>>
      %dma_start3A_14 = arith.constant 0 : i32
      %dma_start3A_15 = arith.constant 0 : i32
      %dma_start3A_16 = tpu.memref_slice %arg2[%dma_start3A_14, %dma_start3A_15] : memref<131072x64xf32, #tpu.memory_space<hbm>> -> memref<131072x64xf32, #tpu.memory_space<hbm>>
      tpu.enqueue_indirect_dma source(%dma_start3A_16 : memref<131072x64xf32, #tpu.memory_space<hbm>>) target(%arg6 : memref<128x64xf32, #tpu.memory_space<vmem>>) offsets(%dma_start3A_13 : memref<128xi32, #tpu.memory_space<vmem>>) semaphore(%arg7 : memref<!tpu.dma_semaphore, #tpu.memory_space<semaphore_mem>>)
      %dma_wait3A = arith.constant 0 : i32
      %dma_wait3A_17 = tpu.memref_slice %arg5[%add3A_11, %dma_wait3A] : memref<32x128xi32, #tpu.memory_space<vmem>> -> memref<1x128xi32, #tpu.memory_space<vmem>>
      %dma_wait3A_18 = tpu.memref_squeeze %dma_wait3A_17 : memref<1x128xi32, #tpu.memory_space<vmem>> -> memref<128xi32, #tpu.memory_space<vmem>>
      %dma_wait3A_19 = arith.constant 0 : i32
      %dma_wait3A_20 = arith.constant 0 : i32
      %dma_wait3A_21 = tpu.memref_slice %arg2[%dma_wait3A_19, %dma_wait3A_20] : memref<131072x64xf32, #tpu.memory_space<hbm>> -> memref<131072x64xf32, #tpu.memory_space<hbm>>
      tpu.wait_indirect_dma semaphore(%arg7 : memref<!tpu.dma_semaphore, #tpu.memory_space<semaphore_mem>>) src(%dma_wait3A_21 : memref<131072x64xf32, #tpu.memory_space<hbm>>) dst(%arg6 : memref<128x64xf32, #tpu.memory_space<vmem>>)
      %mul3A_22 = arith.constant 128 : i32
      %mul3A_23 = arith.muli %add3A_11, %mul3A_22 : i32
      %add3A_24 = arith.addi %mul3A_2, %mul3A_23 : i32
      "tpu.region"() ({
        %run_scoped3A = tpu.sem_alloc : memref<!tpu.dma_semaphore, #tpu.memory_space<semaphore_mem>>
        %dma_start3A_25 = arith.constant 0 : i32
        %dma_start3A_26 = tpu.memref_slice %arg4[%add3A_24, %dma_start3A_25] : memref<131072x64xf32, #tpu.memory_space<hbm>> -> memref<128x64xf32, #tpu.memory_space<hbm>>
        %dma_start3A_27 = arith.constant 0 : i32
        %dma_start3A_28 = tpu.memref_slice %arg4[%add3A_24, %dma_start3A_27] : memref<131072x64xf32, #tpu.memory_space<hbm>> -> memref<128x64xf32, #tpu.memory_space<hbm>>
        tpu.enqueue_dma source(%arg6 : memref<128x64xf32, #tpu.memory_space<vmem>>) target(%dma_start3A_28 : memref<128x64xf32, #tpu.memory_space<hbm>>) target_semaphore(%run_scoped3A : memref<!tpu.dma_semaphore, #tpu.memory_space<semaphore_mem>>)
        %dma_wait3A_29 = arith.constant 0 : i32
        %dma_wait3A_30 = tpu.memref_slice %arg4[%add3A_24, %dma_wait3A_29] : memref<131072x64xf32, #tpu.memory_space<hbm>> -> memref<128x64xf32, #tpu.memory_space<hbm>>
        %dma_wait3A_31 = arith.constant 0 : i32
        %dma_wait3A_32 = tpu.memref_slice %arg4[%add3A_24, %dma_wait3A_31] : memref<131072x64xf32, #tpu.memory_space<hbm>> -> memref<128x64xf32, #tpu.memory_space<hbm>>
        tpu.wait_dma2 semaphore(%run_scoped3A : memref<!tpu.dma_semaphore, #tpu.memory_space<semaphore_mem>>) src(%arg6 : memref<128x64xf32, #tpu.memory_space<vmem>>) dst(%dma_wait3A_32 : memref<128x64xf32, #tpu.memory_space<hbm>>)
        tpu.yield
      }) : () -> ()
    }
    %scan3A_6 = arith.constant 32 : i32
    return
  }
}

#map = affine_map<(d0, d1) -> (0, 0)>
#map1 = affine_map<(d0, d1) -> (0, 0, 0)>
#map2 = affine_map<(d0, d1) -> (0)>
module attributes {stable_mosaic.version = 14 : i64} {
  func.func @_sc_permute_kernel(%arg0: i32, %arg1: i32, %arg2: memref<131072x64xf32, #tpu.memory_space<hbm>>, %arg3: memref<131072x64xf32, #tpu.memory_space<hbm>>, %arg4: memref<131072x64xf32, #tpu.memory_space<hbm>>, %arg5: memref<32x32x128xi32, #tpu.memory_space<hbm>>, %arg6: memref<32x32x128xi32, #tpu.memory_space<hbm>>, %arg7: memref<131072xi32, #tpu.memory_space<hbm>>, %arg8: memref<8192xi32, #tpu.memory_space<hbm>>, %arg9: memref<131072x64xf32, #tpu.memory_space<hbm>>, %arg10: memref<131072x64xf32, #tpu.memory_space<hbm>>, %arg11: memref<131072x64xf32, #tpu.memory_space<hbm>>, %arg12: memref<8192x64xf32, #tpu.memory_space<hbm>>, %arg13: memref<8192x64xf32, #tpu.memory_space<hbm>>, %arg14: memref<32x128xi32, #tpu.memory_space<vmem>>, %arg15: memref<32x128xi32, #tpu.memory_space<vmem>>, %arg16: memref<4096xi32, #tpu.memory_space<vmem>>, %arg17: memref<256xi32, #tpu.memory_space<vmem>>, %arg18: memref<4096xi32, #tpu.memory_space<vmem>>, %arg19: memref<2x128xi32, #tpu.memory_space<vmem>>, %arg20: memref<128x64xf32, #tpu.memory_space<vmem>>, %arg21: memref<128x64xf32, #tpu.memory_space<vmem>>, %arg22: memref<!tpu.dma_semaphore, #tpu.memory_space<semaphore_mem>>, %arg23: memref<!tpu.dma_semaphore, #tpu.memory_space<semaphore_mem>>) attributes {dimension_semantics = [#tpu.dimension_semantics<core_parallel>, #tpu.dimension_semantics<subcore_parallel>], iteration_bounds = array<i64: 2, 16>, scalar_prefetch = 0 : i64, scratch_operands = 10 : i64, tpu.core_type = #tpu.core_type<sc_vector_subcore>, window_params = [{transform_indices = #map}, {transform_indices = #map}, {transform_indices = #map}, {transform_indices = #map1}, {transform_indices = #map1}, {transform_indices = #map2}, {transform_indices = #map2}, {transform_indices = #map}, {transform_indices = #map}, {transform_indices = #map}, {transform_indices = #map}, {transform_indices = #map}]} {
    %mul3A = arith.constant 16 : i32
    %mul3A_0 = arith.muli %arg0, %mul3A : i32
    %add3A = arith.addi %mul3A_0, %arg1 : i32
    %mul3A_1 = arith.constant 4096 : i32
    %mul3A_2 = arith.muli %add3A, %mul3A_1 : i32
    "tpu.region"() ({
      %run_scoped3A = tpu.sem_alloc : memref<!tpu.dma_semaphore, #tpu.memory_space<semaphore_mem>>
      %dma_start3A = arith.constant 0 : i32
      %dma_start3A_39 = arith.constant 0 : i32
      %dma_start3A_40 = tpu.memref_slice %arg5[%add3A, %dma_start3A, %dma_start3A_39] : memref<32x32x128xi32, #tpu.memory_space<hbm>> -> memref<1x32x128xi32, #tpu.memory_space<hbm>>
      %dma_start3A_41 = tpu.memref_squeeze %dma_start3A_40 : memref<1x32x128xi32, #tpu.memory_space<hbm>> -> memref<32x128xi32, #tpu.memory_space<hbm>>
      %dma_start3A_42 = arith.constant 0 : i32
      %dma_start3A_43 = arith.constant 0 : i32
      %dma_start3A_44 = tpu.memref_slice %arg5[%add3A, %dma_start3A_42, %dma_start3A_43] : memref<32x32x128xi32, #tpu.memory_space<hbm>> -> memref<1x32x128xi32, #tpu.memory_space<hbm>>
      %dma_start3A_45 = tpu.memref_squeeze %dma_start3A_44 : memref<1x32x128xi32, #tpu.memory_space<hbm>> -> memref<32x128xi32, #tpu.memory_space<hbm>>
      tpu.enqueue_dma source(%dma_start3A_45 : memref<32x128xi32, #tpu.memory_space<hbm>>) target(%arg14 : memref<32x128xi32, #tpu.memory_space<vmem>>) target_semaphore(%run_scoped3A : memref<!tpu.dma_semaphore, #tpu.memory_space<semaphore_mem>>)
      %dma_wait3A = arith.constant 0 : i32
      %dma_wait3A_46 = arith.constant 0 : i32
      %dma_wait3A_47 = tpu.memref_slice %arg5[%add3A, %dma_wait3A, %dma_wait3A_46] : memref<32x32x128xi32, #tpu.memory_space<hbm>> -> memref<1x32x128xi32, #tpu.memory_space<hbm>>
      %dma_wait3A_48 = tpu.memref_squeeze %dma_wait3A_47 : memref<1x32x128xi32, #tpu.memory_space<hbm>> -> memref<32x128xi32, #tpu.memory_space<hbm>>
      %dma_wait3A_49 = arith.constant 0 : i32
      %dma_wait3A_50 = arith.constant 0 : i32
      %dma_wait3A_51 = tpu.memref_slice %arg5[%add3A, %dma_wait3A_49, %dma_wait3A_50] : memref<32x32x128xi32, #tpu.memory_space<hbm>> -> memref<1x32x128xi32, #tpu.memory_space<hbm>>
      %dma_wait3A_52 = tpu.memref_squeeze %dma_wait3A_51 : memref<1x32x128xi32, #tpu.memory_space<hbm>> -> memref<32x128xi32, #tpu.memory_space<hbm>>
      tpu.wait_dma2 semaphore(%run_scoped3A : memref<!tpu.dma_semaphore, #tpu.memory_space<semaphore_mem>>) src(%dma_wait3A_52 : memref<32x128xi32, #tpu.memory_space<hbm>>) dst(%arg14 : memref<32x128xi32, #tpu.memory_space<vmem>>)
      tpu.yield
    }) : () -> ()
    "tpu.region"() ({
      %run_scoped3A = tpu.sem_alloc : memref<!tpu.dma_semaphore, #tpu.memory_space<semaphore_mem>>
      %dma_start3A = arith.constant 0 : i32
      %dma_start3A_39 = arith.constant 0 : i32
      %dma_start3A_40 = tpu.memref_slice %arg6[%add3A, %dma_start3A, %dma_start3A_39] : memref<32x32x128xi32, #tpu.memory_space<hbm>> -> memref<1x32x128xi32, #tpu.memory_space<hbm>>
      %dma_start3A_41 = tpu.memref_squeeze %dma_start3A_40 : memref<1x32x128xi32, #tpu.memory_space<hbm>> -> memref<32x128xi32, #tpu.memory_space<hbm>>
      %dma_start3A_42 = arith.constant 0 : i32
      %dma_start3A_43 = arith.constant 0 : i32
      %dma_start3A_44 = tpu.memref_slice %arg6[%add3A, %dma_start3A_42, %dma_start3A_43] : memref<32x32x128xi32, #tpu.memory_space<hbm>> -> memref<1x32x128xi32, #tpu.memory_space<hbm>>
      %dma_start3A_45 = tpu.memref_squeeze %dma_start3A_44 : memref<1x32x128xi32, #tpu.memory_space<hbm>> -> memref<32x128xi32, #tpu.memory_space<hbm>>
      tpu.enqueue_dma source(%dma_start3A_45 : memref<32x128xi32, #tpu.memory_space<hbm>>) target(%arg15 : memref<32x128xi32, #tpu.memory_space<vmem>>) target_semaphore(%run_scoped3A : memref<!tpu.dma_semaphore, #tpu.memory_space<semaphore_mem>>)
      %dma_wait3A = arith.constant 0 : i32
      %dma_wait3A_46 = arith.constant 0 : i32
      %dma_wait3A_47 = tpu.memref_slice %arg6[%add3A, %dma_wait3A, %dma_wait3A_46] : memref<32x32x128xi32, #tpu.memory_space<hbm>> -> memref<1x32x128xi32, #tpu.memory_space<hbm>>
      %dma_wait3A_48 = tpu.memref_squeeze %dma_wait3A_47 : memref<1x32x128xi32, #tpu.memory_space<hbm>> -> memref<32x128xi32, #tpu.memory_space<hbm>>
      %dma_wait3A_49 = arith.constant 0 : i32
      %dma_wait3A_50 = arith.constant 0 : i32
      %dma_wait3A_51 = tpu.memref_slice %arg6[%add3A, %dma_wait3A_49, %dma_wait3A_50] : memref<32x32x128xi32, #tpu.memory_space<hbm>> -> memref<1x32x128xi32, #tpu.memory_space<hbm>>
      %dma_wait3A_52 = tpu.memref_squeeze %dma_wait3A_51 : memref<1x32x128xi32, #tpu.memory_space<hbm>> -> memref<32x128xi32, #tpu.memory_space<hbm>>
      tpu.wait_dma2 semaphore(%run_scoped3A : memref<!tpu.dma_semaphore, #tpu.memory_space<semaphore_mem>>) src(%dma_wait3A_52 : memref<32x128xi32, #tpu.memory_space<hbm>>) dst(%arg15 : memref<32x128xi32, #tpu.memory_space<vmem>>)
      tpu.yield
    }) : () -> ()
    "tpu.region"() ({
      %run_scoped3A = tpu.sem_alloc : memref<!tpu.dma_semaphore, #tpu.memory_space<semaphore_mem>>
      %dma_start3A = tpu.memref_slice %arg7[%mul3A_2] : memref<131072xi32, #tpu.memory_space<hbm>> -> memref<4096xi32, #tpu.memory_space<hbm>>
      %dma_start3A_39 = tpu.memref_slice %arg7[%mul3A_2] : memref<131072xi32, #tpu.memory_space<hbm>> -> memref<4096xi32, #tpu.memory_space<hbm>>
      tpu.enqueue_dma source(%dma_start3A_39 : memref<4096xi32, #tpu.memory_space<hbm>>) target(%arg16 : memref<4096xi32, #tpu.memory_space<vmem>>) target_semaphore(%run_scoped3A : memref<!tpu.dma_semaphore, #tpu.memory_space<semaphore_mem>>)
      %dma_wait3A = tpu.memref_slice %arg7[%mul3A_2] : memref<131072xi32, #tpu.memory_space<hbm>> -> memref<4096xi32, #tpu.memory_space<hbm>>
      %dma_wait3A_40 = tpu.memref_slice %arg7[%mul3A_2] : memref<131072xi32, #tpu.memory_space<hbm>> -> memref<4096xi32, #tpu.memory_space<hbm>>
      tpu.wait_dma2 semaphore(%run_scoped3A : memref<!tpu.dma_semaphore, #tpu.memory_space<semaphore_mem>>) src(%dma_wait3A_40 : memref<4096xi32, #tpu.memory_space<hbm>>) dst(%arg16 : memref<4096xi32, #tpu.memory_space<vmem>>)
      tpu.yield
    }) : () -> ()
    %mul3A_3 = arith.constant 256 : i32
    %mul3A_4 = arith.muli %add3A, %mul3A_3 : i32
    "tpu.region"() ({
      %run_scoped3A = tpu.sem_alloc : memref<!tpu.dma_semaphore, #tpu.memory_space<semaphore_mem>>
      %dma_start3A = tpu.memref_slice %arg8[%mul3A_4] : memref<8192xi32, #tpu.memory_space<hbm>> -> memref<256xi32, #tpu.memory_space<hbm>>
      %dma_start3A_39 = tpu.memref_slice %arg8[%mul3A_4] : memref<8192xi32, #tpu.memory_space<hbm>> -> memref<256xi32, #tpu.memory_space<hbm>>
      tpu.enqueue_dma source(%dma_start3A_39 : memref<256xi32, #tpu.memory_space<hbm>>) target(%arg17 : memref<256xi32, #tpu.memory_space<vmem>>) target_semaphore(%run_scoped3A : memref<!tpu.dma_semaphore, #tpu.memory_space<semaphore_mem>>)
      %dma_wait3A = tpu.memref_slice %arg8[%mul3A_4] : memref<8192xi32, #tpu.memory_space<hbm>> -> memref<256xi32, #tpu.memory_space<hbm>>
      %dma_wait3A_40 = tpu.memref_slice %arg8[%mul3A_4] : memref<8192xi32, #tpu.memory_space<hbm>> -> memref<256xi32, #tpu.memory_space<hbm>>
      tpu.wait_dma2 semaphore(%run_scoped3A : memref<!tpu.dma_semaphore, #tpu.memory_space<semaphore_mem>>) src(%dma_wait3A_40 : memref<256xi32, #tpu.memory_space<hbm>>) dst(%arg17 : memref<256xi32, #tpu.memory_space<vmem>>)
      tpu.yield
    }) : () -> ()
    %scan3A = arith.constant 0 : i32
    %scan3A_5 = arith.constant 32 : i32
    %scan3A_6 = arith.addi %scan3A, %scan3A_5 : i32
    %scan3A_7 = arith.constant 1 : i32
    scf.for %scan3A_39 = %scan3A to %scan3A_6 step %scan3A_7  : i32 {
      %mul3A_40 = arith.constant 1 : i32
      %mul3A_41 = arith.muli %scan3A_39, %mul3A_40 : i32
      %add3A_42 = arith.constant 0 : i32
      %add3A_43 = arith.addi %add3A_42, %mul3A_41 : i32
      %mul3A_44 = arith.constant 128 : i32
      %mul3A_45 = arith.muli %add3A_43, %mul3A_44 : i32
      %add3A_46 = arith.addi %mul3A_2, %mul3A_45 : i32
      "tpu.region"() ({
        %run_scoped3A = tpu.sem_alloc : memref<!tpu.dma_semaphore, #tpu.memory_space<semaphore_mem>>
        %dma_start3A_57 = arith.constant 0 : i32
        %dma_start3A_58 = tpu.memref_slice %arg2[%add3A_46, %dma_start3A_57] : memref<131072x64xf32, #tpu.memory_space<hbm>> -> memref<128x64xf32, #tpu.memory_space<hbm>>
        %dma_start3A_59 = arith.constant 0 : i32
        %dma_start3A_60 = tpu.memref_slice %arg2[%add3A_46, %dma_start3A_59] : memref<131072x64xf32, #tpu.memory_space<hbm>> -> memref<128x64xf32, #tpu.memory_space<hbm>>
        tpu.enqueue_dma source(%dma_start3A_60 : memref<128x64xf32, #tpu.memory_space<hbm>>) target(%arg20 : memref<128x64xf32, #tpu.memory_space<vmem>>) target_semaphore(%run_scoped3A : memref<!tpu.dma_semaphore, #tpu.memory_space<semaphore_mem>>)
        %dma_wait3A_61 = arith.constant 0 : i32
        %dma_wait3A_62 = tpu.memref_slice %arg2[%add3A_46, %dma_wait3A_61] : memref<131072x64xf32, #tpu.memory_space<hbm>> -> memref<128x64xf32, #tpu.memory_space<hbm>>
        %dma_wait3A_63 = arith.constant 0 : i32
        %dma_wait3A_64 = tpu.memref_slice %arg2[%add3A_46, %dma_wait3A_63] : memref<131072x64xf32, #tpu.memory_space<hbm>> -> memref<128x64xf32, #tpu.memory_space<hbm>>
        tpu.wait_dma2 semaphore(%run_scoped3A : memref<!tpu.dma_semaphore, #tpu.memory_space<semaphore_mem>>) src(%dma_wait3A_64 : memref<128x64xf32, #tpu.memory_space<hbm>>) dst(%arg20 : memref<128x64xf32, #tpu.memory_space<vmem>>)
        tpu.yield
      }) : () -> ()
      %dma_start3A = arith.constant 0 : i32
      %dma_start3A_47 = tpu.memref_slice %arg14[%add3A_43, %dma_start3A] : memref<32x128xi32, #tpu.memory_space<vmem>> -> memref<1x128xi32, #tpu.memory_space<vmem>>
      %dma_start3A_48 = tpu.memref_squeeze %dma_start3A_47 : memref<1x128xi32, #tpu.memory_space<vmem>> -> memref<128xi32, #tpu.memory_space<vmem>>
      %dma_start3A_49 = arith.constant 0 : i32
      %dma_start3A_50 = arith.constant 0 : i32
      %dma_start3A_51 = tpu.memref_slice %arg9[%dma_start3A_49, %dma_start3A_50] : memref<131072x64xf32, #tpu.memory_space<hbm>> -> memref<131072x64xf32, #tpu.memory_space<hbm>>
      tpu.enqueue_indirect_dma source(%arg20 : memref<128x64xf32, #tpu.memory_space<vmem>>) target(%dma_start3A_51 : memref<131072x64xf32, #tpu.memory_space<hbm>>) offsets(%dma_start3A_48 : memref<128xi32, #tpu.memory_space<vmem>>) semaphore(%arg22 : memref<!tpu.dma_semaphore, #tpu.memory_space<semaphore_mem>>)
      %dma_wait3A = arith.constant 0 : i32
      %dma_wait3A_52 = tpu.memref_slice %arg14[%add3A_43, %dma_wait3A] : memref<32x128xi32, #tpu.memory_space<vmem>> -> memref<1x128xi32, #tpu.memory_space<vmem>>
      %dma_wait3A_53 = tpu.memref_squeeze %dma_wait3A_52 : memref<1x128xi32, #tpu.memory_space<vmem>> -> memref<128xi32, #tpu.memory_space<vmem>>
      %dma_wait3A_54 = arith.constant 0 : i32
      %dma_wait3A_55 = arith.constant 0 : i32
      %dma_wait3A_56 = tpu.memref_slice %arg9[%dma_wait3A_54, %dma_wait3A_55] : memref<131072x64xf32, #tpu.memory_space<hbm>> -> memref<131072x64xf32, #tpu.memory_space<hbm>>
      tpu.wait_indirect_dma semaphore(%arg22 : memref<!tpu.dma_semaphore, #tpu.memory_space<semaphore_mem>>) src(%arg20 : memref<128x64xf32, #tpu.memory_space<vmem>>) dst(%dma_wait3A_56 : memref<131072x64xf32, #tpu.memory_space<hbm>>)
    }
    %scan3A_8 = arith.constant 32 : i32
    %scan3A_9 = arith.constant 0 : i32
    %scan3A_10 = arith.constant 32 : i32
    %scan3A_11 = arith.addi %scan3A_9, %scan3A_10 : i32
    %scan3A_12 = arith.constant 1 : i32
    scf.for %scan3A_39 = %scan3A_9 to %scan3A_11 step %scan3A_12  : i32 {
      %mul3A_40 = arith.constant 1 : i32
      %mul3A_41 = arith.muli %scan3A_39, %mul3A_40 : i32
      %add3A_42 = arith.constant 0 : i32
      %add3A_43 = arith.addi %add3A_42, %mul3A_41 : i32
      %mul3A_44 = arith.constant 128 : i32
      %mul3A_45 = arith.muli %add3A_43, %mul3A_44 : i32
      %add3A_46 = arith.addi %mul3A_2, %mul3A_45 : i32
      "tpu.region"() ({
        %run_scoped3A = tpu.sem_alloc : memref<!tpu.dma_semaphore, #tpu.memory_space<semaphore_mem>>
        %dma_start3A_57 = arith.constant 0 : i32
        %dma_start3A_58 = tpu.memref_slice %arg3[%add3A_46, %dma_start3A_57] : memref<131072x64xf32, #tpu.memory_space<hbm>> -> memref<128x64xf32, #tpu.memory_space<hbm>>
        %dma_start3A_59 = arith.constant 0 : i32
        %dma_start3A_60 = tpu.memref_slice %arg3[%add3A_46, %dma_start3A_59] : memref<131072x64xf32, #tpu.memory_space<hbm>> -> memref<128x64xf32, #tpu.memory_space<hbm>>
        tpu.enqueue_dma source(%dma_start3A_60 : memref<128x64xf32, #tpu.memory_space<hbm>>) target(%arg20 : memref<128x64xf32, #tpu.memory_space<vmem>>) target_semaphore(%run_scoped3A : memref<!tpu.dma_semaphore, #tpu.memory_space<semaphore_mem>>)
        %dma_wait3A_61 = arith.constant 0 : i32
        %dma_wait3A_62 = tpu.memref_slice %arg3[%add3A_46, %dma_wait3A_61] : memref<131072x64xf32, #tpu.memory_space<hbm>> -> memref<128x64xf32, #tpu.memory_space<hbm>>
        %dma_wait3A_63 = arith.constant 0 : i32
        %dma_wait3A_64 = tpu.memref_slice %arg3[%add3A_46, %dma_wait3A_63] : memref<131072x64xf32, #tpu.memory_space<hbm>> -> memref<128x64xf32, #tpu.memory_space<hbm>>
        tpu.wait_dma2 semaphore(%run_scoped3A : memref<!tpu.dma_semaphore, #tpu.memory_space<semaphore_mem>>) src(%dma_wait3A_64 : memref<128x64xf32, #tpu.memory_space<hbm>>) dst(%arg20 : memref<128x64xf32, #tpu.memory_space<vmem>>)
        tpu.yield
      }) : () -> ()
      %dma_start3A = arith.constant 0 : i32
      %dma_start3A_47 = tpu.memref_slice %arg15[%add3A_43, %dma_start3A] : memref<32x128xi32, #tpu.memory_space<vmem>> -> memref<1x128xi32, #tpu.memory_space<vmem>>
      %dma_start3A_48 = tpu.memref_squeeze %dma_start3A_47 : memref<1x128xi32, #tpu.memory_space<vmem>> -> memref<128xi32, #tpu.memory_space<vmem>>
      %dma_start3A_49 = arith.constant 0 : i32
      %dma_start3A_50 = arith.constant 0 : i32
      %dma_start3A_51 = tpu.memref_slice %arg10[%dma_start3A_49, %dma_start3A_50] : memref<131072x64xf32, #tpu.memory_space<hbm>> -> memref<131072x64xf32, #tpu.memory_space<hbm>>
      tpu.enqueue_indirect_dma source(%arg20 : memref<128x64xf32, #tpu.memory_space<vmem>>) target(%dma_start3A_51 : memref<131072x64xf32, #tpu.memory_space<hbm>>) offsets(%dma_start3A_48 : memref<128xi32, #tpu.memory_space<vmem>>) semaphore(%arg22 : memref<!tpu.dma_semaphore, #tpu.memory_space<semaphore_mem>>)
      %dma_wait3A = arith.constant 0 : i32
      %dma_wait3A_52 = tpu.memref_slice %arg15[%add3A_43, %dma_wait3A] : memref<32x128xi32, #tpu.memory_space<vmem>> -> memref<1x128xi32, #tpu.memory_space<vmem>>
      %dma_wait3A_53 = tpu.memref_squeeze %dma_wait3A_52 : memref<1x128xi32, #tpu.memory_space<vmem>> -> memref<128xi32, #tpu.memory_space<vmem>>
      %dma_wait3A_54 = arith.constant 0 : i32
      %dma_wait3A_55 = arith.constant 0 : i32
      %dma_wait3A_56 = tpu.memref_slice %arg10[%dma_wait3A_54, %dma_wait3A_55] : memref<131072x64xf32, #tpu.memory_space<hbm>> -> memref<131072x64xf32, #tpu.memory_space<hbm>>
      tpu.wait_indirect_dma semaphore(%arg22 : memref<!tpu.dma_semaphore, #tpu.memory_space<semaphore_mem>>) src(%arg20 : memref<128x64xf32, #tpu.memory_space<vmem>>) dst(%dma_wait3A_56 : memref<131072x64xf32, #tpu.memory_space<hbm>>)
    }
    %scan3A_13 = arith.constant 32 : i32
    %scan3A_14 = arith.constant 0 : i32
    %scan3A_15 = arith.constant 32 : i32
    %scan3A_16 = arith.addi %scan3A_14, %scan3A_15 : i32
    %scan3A_17 = arith.constant 1 : i32
    scf.for %scan3A_39 = %scan3A_14 to %scan3A_16 step %scan3A_17  : i32 {
      %mul3A_40 = arith.constant 1 : i32
      %mul3A_41 = arith.muli %scan3A_39, %mul3A_40 : i32
      %add3A_42 = arith.constant 0 : i32
      %add3A_43 = arith.addi %add3A_42, %mul3A_41 : i32
      %mul3A_44 = arith.constant 128 : i32
      %mul3A_45 = arith.muli %add3A_43, %mul3A_44 : i32
      %add3A_46 = arith.addi %mul3A_2, %mul3A_45 : i32
      "tpu.region"() ({
        %run_scoped3A = tpu.sem_alloc : memref<!tpu.dma_semaphore, #tpu.memory_space<semaphore_mem>>
        %dma_start3A_57 = arith.constant 0 : i32
        %dma_start3A_58 = tpu.memref_slice %arg4[%add3A_46, %dma_start3A_57] : memref<131072x64xf32, #tpu.memory_space<hbm>> -> memref<128x64xf32, #tpu.memory_space<hbm>>
        %dma_start3A_59 = arith.constant 0 : i32
        %dma_start3A_60 = tpu.memref_slice %arg4[%add3A_46, %dma_start3A_59] : memref<131072x64xf32, #tpu.memory_space<hbm>> -> memref<128x64xf32, #tpu.memory_space<hbm>>
        tpu.enqueue_dma source(%dma_start3A_60 : memref<128x64xf32, #tpu.memory_space<hbm>>) target(%arg20 : memref<128x64xf32, #tpu.memory_space<vmem>>) target_semaphore(%run_scoped3A : memref<!tpu.dma_semaphore, #tpu.memory_space<semaphore_mem>>)
        %dma_wait3A_61 = arith.constant 0 : i32
        %dma_wait3A_62 = tpu.memref_slice %arg4[%add3A_46, %dma_wait3A_61] : memref<131072x64xf32, #tpu.memory_space<hbm>> -> memref<128x64xf32, #tpu.memory_space<hbm>>
        %dma_wait3A_63 = arith.constant 0 : i32
        %dma_wait3A_64 = tpu.memref_slice %arg4[%add3A_46, %dma_wait3A_63] : memref<131072x64xf32, #tpu.memory_space<hbm>> -> memref<128x64xf32, #tpu.memory_space<hbm>>
        tpu.wait_dma2 semaphore(%run_scoped3A : memref<!tpu.dma_semaphore, #tpu.memory_space<semaphore_mem>>) src(%dma_wait3A_64 : memref<128x64xf32, #tpu.memory_space<hbm>>) dst(%arg20 : memref<128x64xf32, #tpu.memory_space<vmem>>)
        tpu.yield
      }) : () -> ()
      %dma_start3A = arith.constant 0 : i32
      %dma_start3A_47 = tpu.memref_slice %arg15[%add3A_43, %dma_start3A] : memref<32x128xi32, #tpu.memory_space<vmem>> -> memref<1x128xi32, #tpu.memory_space<vmem>>
      %dma_start3A_48 = tpu.memref_squeeze %dma_start3A_47 : memref<1x128xi32, #tpu.memory_space<vmem>> -> memref<128xi32, #tpu.memory_space<vmem>>
      %dma_start3A_49 = arith.constant 0 : i32
      %dma_start3A_50 = arith.constant 0 : i32
      %dma_start3A_51 = tpu.memref_slice %arg11[%dma_start3A_49, %dma_start3A_50] : memref<131072x64xf32, #tpu.memory_space<hbm>> -> memref<131072x64xf32, #tpu.memory_space<hbm>>
      tpu.enqueue_indirect_dma source(%arg20 : memref<128x64xf32, #tpu.memory_space<vmem>>) target(%dma_start3A_51 : memref<131072x64xf32, #tpu.memory_space<hbm>>) offsets(%dma_start3A_48 : memref<128xi32, #tpu.memory_space<vmem>>) semaphore(%arg22 : memref<!tpu.dma_semaphore, #tpu.memory_space<semaphore_mem>>)
      %dma_wait3A = arith.constant 0 : i32
      %dma_wait3A_52 = tpu.memref_slice %arg15[%add3A_43, %dma_wait3A] : memref<32x128xi32, #tpu.memory_space<vmem>> -> memref<1x128xi32, #tpu.memory_space<vmem>>
      %dma_wait3A_53 = tpu.memref_squeeze %dma_wait3A_52 : memref<1x128xi32, #tpu.memory_space<vmem>> -> memref<128xi32, #tpu.memory_space<vmem>>
      %dma_wait3A_54 = arith.constant 0 : i32
      %dma_wait3A_55 = arith.constant 0 : i32
      %dma_wait3A_56 = tpu.memref_slice %arg11[%dma_wait3A_54, %dma_wait3A_55] : memref<131072x64xf32, #tpu.memory_space<hbm>> -> memref<131072x64xf32, #tpu.memory_space<hbm>>
      tpu.wait_indirect_dma semaphore(%arg22 : memref<!tpu.dma_semaphore, #tpu.memory_space<semaphore_mem>>) src(%arg20 : memref<128x64xf32, #tpu.memory_space<vmem>>) dst(%dma_wait3A_56 : memref<131072x64xf32, #tpu.memory_space<hbm>>)
    }
    %scan3A_18 = arith.constant 32 : i32
    %scan3A_19 = arith.constant 0 : i32
    %scan3A_20 = arith.constant 256 : i32
    %scan3A_21 = arith.addi %scan3A_19, %scan3A_20 : i32
    %scan3A_22 = arith.constant 1 : i32
    scf.for %scan3A_39 = %scan3A_19 to %scan3A_21 step %scan3A_22  : i32 {
      %mul3A_40 = arith.constant 1 : i32
      %mul3A_41 = arith.muli %scan3A_39, %mul3A_40 : i32
      %add3A_42 = arith.constant 0 : i32
      %add3A_43 = arith.addi %add3A_42, %mul3A_41 : i32
      %mul3A_44 = arith.constant 16 : i32
      %mul3A_45 = arith.muli %add3A_43, %mul3A_44 : i32
      %get3A = arith.index_cast %mul3A_45 : i32 to index
      %get3A_46 = tpu.vector_load %arg16[%get3A] {strides = array<i32>} : memref<4096xi32, #tpu.memory_space<vmem>>, vector<16xi32>,
      %mul3A_47 = arith.constant 16 : i32
      %mul3A_48 = arith.muli %add3A_43, %mul3A_47 : i32
      %iota3A = tpu.iota {dimensions = array<i32: 0>} : vector<16xi32>
      %add3A_49 = vector.broadcast %mul3A_48 : i32 to vector<16xi32>
      %add3A_50 = arith.addi %add3A_49, %iota3A : vector<16xi32>
      tpu.vector_store_idx %arg18[%get3A_46], %add3A_50 : memref<4096xi32, #tpu.memory_space<vmem>>[vector<16xi32>], vector<16xi32>,
    }
    %scan3A_23 = arith.constant 256 : i32
    %scan3A_24 = arith.constant 0 : i32
    %scan3A_25 = arith.constant 16 : i32
    %scan3A_26 = arith.addi %scan3A_24, %scan3A_25 : i32
    %scan3A_27 = arith.constant 1 : i32
    scf.for %scan3A_39 = %scan3A_24 to %scan3A_26 step %scan3A_27  : i32 {
      %mul3A_40 = arith.constant 1 : i32
      %mul3A_41 = arith.muli %scan3A_39, %mul3A_40 : i32
      %add3A_42 = arith.constant 0 : i32
      %add3A_43 = arith.addi %add3A_42, %mul3A_41 : i32
      %mul3A_44 = arith.constant 16 : i32
      %mul3A_45 = arith.muli %add3A_43, %mul3A_44 : i32
      %get3A = arith.index_cast %mul3A_45 : i32 to index
      %get3A_46 = tpu.vector_load %arg17[%get3A] {strides = array<i32>} : memref<256xi32, #tpu.memory_space<vmem>>, vector<16xi32>,
      %gather3A = tpu.vector_load_idx %arg18[%get3A_46] : memref<4096xi32, #tpu.memory_space<vmem>>[vector<16xi32>], vector<16xi32>,
      %add3A_47 = vector.broadcast %mul3A_2 : i32 to vector<16xi32>
      %add3A_48 = arith.addi %gather3A, %add3A_47 : vector<16xi32>
      %jit3A = arith.constant 8 : i32
      %div3A = arith.divsi %add3A_43, %jit3A : i32
      %sign3A = arith.constant 0 : i32
      %sign3A_49 = arith.cmpi sgt, %add3A_43, %sign3A : i32
      %sign3A_50 = arith.extui %sign3A_49 : i1 to i32
      %sign3A_51 = arith.constant 0 : i32
      %sign3A_52 = arith.cmpi slt, %add3A_43, %sign3A_51 : i32
      %sign3A_53 = arith.extui %sign3A_52 : i1 to i32
      %sign3A_54 = arith.subi %sign3A_50, %sign3A_53 : i32
      %sign3A_55 = arith.constant 0 : i32
      %sign3A_56 = arith.cmpi sgt, %jit3A, %sign3A_55 : i32
      %sign3A_57 = arith.extui %sign3A_56 : i1 to i32
      %sign3A_58 = arith.constant 0 : i32
      %sign3A_59 = arith.cmpi slt, %jit3A, %sign3A_58 : i32
      %sign3A_60 = arith.extui %sign3A_59 : i1 to i32
      %sign3A_61 = arith.subi %sign3A_57, %sign3A_60 : i32
      %ne3A = arith.cmpi ne, %sign3A_54, %sign3A_61 : i32
      %rem3A = arith.remsi %add3A_43, %jit3A : i32
      %ne3A_62 = arith.constant 0 : i32
      %ne3A_63 = arith.cmpi ne, %rem3A, %ne3A_62 : i32
      %and3A = arith.andi %ne3A, %ne3A_63 : i1
      %sub3A = arith.constant 1 : i32
      %sub3A_64 = arith.subi %div3A, %sub3A : i32
      %select_n3A = arith.select %and3A, %sub3A_64, %div3A : i32
      %jit3A_65 = arith.constant 8 : i32
      %eq3A = arith.constant 0 : i32
      %eq3A_66 = arith.cmpi eq, %jit3A_65, %eq3A : i32
      %jit3A_67 = arith.constant 1 : i32
      %select_n3A_68 = arith.select %eq3A_66, %jit3A_67, %jit3A_65 : i32
      %rem3A_69 = arith.remsi %add3A_43, %select_n3A_68 : i32
      %ne3A_70 = arith.constant 0 : i32
      %ne3A_71 = arith.cmpi ne, %rem3A_69, %ne3A_70 : i32
      %lt3A = arith.constant 0 : i32
      %lt3A_72 = arith.cmpi slt, %rem3A_69, %lt3A : i32
      %lt3A_73 = arith.constant 0 : i32
      %lt3A_74 = arith.cmpi slt, %select_n3A_68, %lt3A_73 : i32
      %ne3A_75 = arith.xori %lt3A_72, %lt3A_74 : i1
      %and3A_76 = arith.andi %ne3A_75, %ne3A_71 : i1
      %add3A_77 = arith.addi %rem3A_69, %select_n3A_68 : i32
      %select_n3A_78 = arith.select %and3A_76, %add3A_77, %rem3A_69 : i32
      %mul3A_79 = arith.constant 16 : i32
      %mul3A_80 = arith.muli %select_n3A_78, %mul3A_79 : i32
      %swap3A = arith.index_cast %select_n3A : i32 to index
      %swap3A_81 = arith.index_cast %mul3A_80 : i32 to index
      %swap3A_82 = tpu.vector_load %arg19[%swap3A, %swap3A_81] {strides = array<i32>} : memref<2x128xi32, #tpu.memory_space<vmem>>, vector<16xi32>,
      tpu.vector_store %arg19[%swap3A, %swap3A_81], %add3A_48 {strides = array<i32>} : memref<2x128xi32, #tpu.memory_space<vmem>>, vector<16xi32>,
    }
    %scan3A_28 = arith.constant 16 : i32
    %scan3A_29 = arith.constant 0 : i32
    %scan3A_30 = arith.constant 2 : i32
    %scan3A_31 = arith.addi %scan3A_29, %scan3A_30 : i32
    %scan3A_32 = arith.constant 1 : i32
    scf.for %scan3A_39 = %scan3A_29 to %scan3A_31 step %scan3A_32  : i32 {
      %mul3A_40 = arith.constant 1 : i32
      %mul3A_41 = arith.muli %scan3A_39, %mul3A_40 : i32
      %add3A_42 = arith.constant 0 : i32
      %add3A_43 = arith.addi %add3A_42, %mul3A_41 : i32
      %dma_start3A = arith.constant 0 : i32
      %dma_start3A_44 = tpu.memref_slice %arg19[%add3A_43, %dma_start3A] : memref<2x128xi32, #tpu.memory_space<vmem>> -> memref<1x128xi32, #tpu.memory_space<vmem>>
      %dma_start3A_45 = tpu.memref_squeeze %dma_start3A_44 : memref<1x128xi32, #tpu.memory_space<vmem>> -> memref<128xi32, #tpu.memory_space<vmem>>
      %dma_start3A_46 = arith.constant 0 : i32
      %dma_start3A_47 = arith.constant 0 : i32
      %dma_start3A_48 = tpu.memref_slice %arg3[%dma_start3A_46, %dma_start3A_47] : memref<131072x64xf32, #tpu.memory_space<hbm>> -> memref<131072x64xf32, #tpu.memory_space<hbm>>
      tpu.enqueue_indirect_dma source(%dma_start3A_48 : memref<131072x64xf32, #tpu.memory_space<hbm>>) target(%arg21 : memref<128x64xf32, #tpu.memory_space<vmem>>) offsets(%dma_start3A_45 : memref<128xi32, #tpu.memory_space<vmem>>) semaphore(%arg23 : memref<!tpu.dma_semaphore, #tpu.memory_space<semaphore_mem>>)
      %dma_wait3A = arith.constant 0 : i32
      %dma_wait3A_49 = tpu.memref_slice %arg19[%add3A_43, %dma_wait3A] : memref<2x128xi32, #tpu.memory_space<vmem>> -> memref<1x128xi32, #tpu.memory_space<vmem>>
      %dma_wait3A_50 = tpu.memref_squeeze %dma_wait3A_49 : memref<1x128xi32, #tpu.memory_space<vmem>> -> memref<128xi32, #tpu.memory_space<vmem>>
      %dma_wait3A_51 = arith.constant 0 : i32
      %dma_wait3A_52 = arith.constant 0 : i32
      %dma_wait3A_53 = tpu.memref_slice %arg3[%dma_wait3A_51, %dma_wait3A_52] : memref<131072x64xf32, #tpu.memory_space<hbm>> -> memref<131072x64xf32, #tpu.memory_space<hbm>>
      tpu.wait_indirect_dma semaphore(%arg23 : memref<!tpu.dma_semaphore, #tpu.memory_space<semaphore_mem>>) src(%dma_wait3A_53 : memref<131072x64xf32, #tpu.memory_space<hbm>>) dst(%arg21 : memref<128x64xf32, #tpu.memory_space<vmem>>)
      %mul3A_54 = arith.constant 256 : i32
      %mul3A_55 = arith.muli %add3A, %mul3A_54 : i32
      %mul3A_56 = arith.constant 128 : i32
      %mul3A_57 = arith.muli %add3A_43, %mul3A_56 : i32
      %add3A_58 = arith.addi %mul3A_55, %mul3A_57 : i32
      "tpu.region"() ({
        %run_scoped3A = tpu.sem_alloc : memref<!tpu.dma_semaphore, #tpu.memory_space<semaphore_mem>>
        %dma_start3A_59 = arith.constant 0 : i32
        %dma_start3A_60 = tpu.memref_slice %arg12[%add3A_58, %dma_start3A_59] : memref<8192x64xf32, #tpu.memory_space<hbm>> -> memref<128x64xf32, #tpu.memory_space<hbm>>
        %dma_start3A_61 = arith.constant 0 : i32
        %dma_start3A_62 = tpu.memref_slice %arg12[%add3A_58, %dma_start3A_61] : memref<8192x64xf32, #tpu.memory_space<hbm>> -> memref<128x64xf32, #tpu.memory_space<hbm>>
        tpu.enqueue_dma source(%arg21 : memref<128x64xf32, #tpu.memory_space<vmem>>) target(%dma_start3A_62 : memref<128x64xf32, #tpu.memory_space<hbm>>) target_semaphore(%run_scoped3A : memref<!tpu.dma_semaphore, #tpu.memory_space<semaphore_mem>>)
        %dma_wait3A_63 = arith.constant 0 : i32
        %dma_wait3A_64 = tpu.memref_slice %arg12[%add3A_58, %dma_wait3A_63] : memref<8192x64xf32, #tpu.memory_space<hbm>> -> memref<128x64xf32, #tpu.memory_space<hbm>>
        %dma_wait3A_65 = arith.constant 0 : i32
        %dma_wait3A_66 = tpu.memref_slice %arg12[%add3A_58, %dma_wait3A_65] : memref<8192x64xf32, #tpu.memory_space<hbm>> -> memref<128x64xf32, #tpu.memory_space<hbm>>
        tpu.wait_dma2 semaphore(%run_scoped3A : memref<!tpu.dma_semaphore, #tpu.memory_space<semaphore_mem>>) src(%arg21 : memref<128x64xf32, #tpu.memory_space<vmem>>) dst(%dma_wait3A_66 : memref<128x64xf32, #tpu.memory_space<hbm>>)
        tpu.yield
      }) : () -> ()
    }
    %scan3A_33 = arith.constant 2 : i32
    %scan3A_34 = arith.constant 0 : i32
    %scan3A_35 = arith.constant 2 : i32
    %scan3A_36 = arith.addi %scan3A_34, %scan3A_35 : i32
    %scan3A_37 = arith.constant 1 : i32
    scf.for %scan3A_39 = %scan3A_34 to %scan3A_36 step %scan3A_37  : i32 {
      %mul3A_40 = arith.constant 1 : i32
      %mul3A_41 = arith.muli %scan3A_39, %mul3A_40 : i32
      %add3A_42 = arith.constant 0 : i32
      %add3A_43 = arith.addi %add3A_42, %mul3A_41 : i32
      %dma_start3A = arith.constant 0 : i32
      %dma_start3A_44 = tpu.memref_slice %arg19[%add3A_43, %dma_start3A] : memref<2x128xi32, #tpu.memory_space<vmem>> -> memref<1x128xi32, #tpu.memory_space<vmem>>
      %dma_start3A_45 = tpu.memref_squeeze %dma_start3A_44 : memref<1x128xi32, #tpu.memory_space<vmem>> -> memref<128xi32, #tpu.memory_space<vmem>>
      %dma_start3A_46 = arith.constant 0 : i32
      %dma_start3A_47 = arith.constant 0 : i32
      %dma_start3A_48 = tpu.memref_slice %arg4[%dma_start3A_46, %dma_start3A_47] : memref<131072x64xf32, #tpu.memory_space<hbm>> -> memref<131072x64xf32, #tpu.memory_space<hbm>>
      tpu.enqueue_indirect_dma source(%dma_start3A_48 : memref<131072x64xf32, #tpu.memory_space<hbm>>) target(%arg21 : memref<128x64xf32, #tpu.memory_space<vmem>>) offsets(%dma_start3A_45 : memref<128xi32, #tpu.memory_space<vmem>>) semaphore(%arg23 : memref<!tpu.dma_semaphore, #tpu.memory_space<semaphore_mem>>)
      %dma_wait3A = arith.constant 0 : i32
      %dma_wait3A_49 = tpu.memref_slice %arg19[%add3A_43, %dma_wait3A] : memref<2x128xi32, #tpu.memory_space<vmem>> -> memref<1x128xi32, #tpu.memory_space<vmem>>
      %dma_wait3A_50 = tpu.memref_squeeze %dma_wait3A_49 : memref<1x128xi32, #tpu.memory_space<vmem>> -> memref<128xi32, #tpu.memory_space<vmem>>
      %dma_wait3A_51 = arith.constant 0 : i32
      %dma_wait3A_52 = arith.constant 0 : i32
      %dma_wait3A_53 = tpu.memref_slice %arg4[%dma_wait3A_51, %dma_wait3A_52] : memref<131072x64xf32, #tpu.memory_space<hbm>> -> memref<131072x64xf32, #tpu.memory_space<hbm>>
      tpu.wait_indirect_dma semaphore(%arg23 : memref<!tpu.dma_semaphore, #tpu.memory_space<semaphore_mem>>) src(%dma_wait3A_53 : memref<131072x64xf32, #tpu.memory_space<hbm>>) dst(%arg21 : memref<128x64xf32, #tpu.memory_space<vmem>>)
      %mul3A_54 = arith.constant 256 : i32
      %mul3A_55 = arith.muli %add3A, %mul3A_54 : i32
      %mul3A_56 = arith.constant 128 : i32
      %mul3A_57 = arith.muli %add3A_43, %mul3A_56 : i32
      %add3A_58 = arith.addi %mul3A_55, %mul3A_57 : i32
      "tpu.region"() ({
        %run_scoped3A = tpu.sem_alloc : memref<!tpu.dma_semaphore, #tpu.memory_space<semaphore_mem>>
        %dma_start3A_59 = arith.constant 0 : i32
        %dma_start3A_60 = tpu.memref_slice %arg13[%add3A_58, %dma_start3A_59] : memref<8192x64xf32, #tpu.memory_space<hbm>> -> memref<128x64xf32, #tpu.memory_space<hbm>>
        %dma_start3A_61 = arith.constant 0 : i32
        %dma_start3A_62 = tpu.memref_slice %arg13[%add3A_58, %dma_start3A_61] : memref<8192x64xf32, #tpu.memory_space<hbm>> -> memref<128x64xf32, #tpu.memory_space<hbm>>
        tpu.enqueue_dma source(%arg21 : memref<128x64xf32, #tpu.memory_space<vmem>>) target(%dma_start3A_62 : memref<128x64xf32, #tpu.memory_space<hbm>>) target_semaphore(%run_scoped3A : memref<!tpu.dma_semaphore, #tpu.memory_space<semaphore_mem>>)
        %dma_wait3A_63 = arith.constant 0 : i32
        %dma_wait3A_64 = tpu.memref_slice %arg13[%add3A_58, %dma_wait3A_63] : memref<8192x64xf32, #tpu.memory_space<hbm>> -> memref<128x64xf32, #tpu.memory_space<hbm>>
        %dma_wait3A_65 = arith.constant 0 : i32
        %dma_wait3A_66 = tpu.memref_slice %arg13[%add3A_58, %dma_wait3A_65] : memref<8192x64xf32, #tpu.memory_space<hbm>> -> memref<128x64xf32, #tpu.memory_space<hbm>>
        tpu.wait_dma2 semaphore(%run_scoped3A : memref<!tpu.dma_semaphore, #tpu.memory_space<semaphore_mem>>) src(%arg21 : memref<128x64xf32, #tpu.memory_space<vmem>>) dst(%dma_wait3A_66 : memref<128x64xf32, #tpu.memory_space<hbm>>)
        tpu.yield
      }) : () -> ()
    }
    %scan3A_38 = arith.constant 2 : i32
    return
  }
}

module attributes {stable_mosaic.version = 14 : i64} {
  func.func @_rank_kernel(%arg0: i32, %arg1: memref<1x4096x64xf32, #tpu.memory_space<vmem>>, %arg2: memref<64x128xf32, #tpu.memory_space<vmem>>, %arg3: memref<1x32x128xi32, #tpu.memory_space<vmem>>, %arg4: memref<4096x128xbf16, #tpu.memory_space<vmem>>, %arg5: memref<4096x1xf32, #tpu.memory_space<vmem>>) attributes {dimension_semantics = [#tpu.dimension_semantics<arbitrary>], iteration_bounds = array<i64: 32>, scalar_prefetch = 0 : i64, scratch_operands = 2 : i64, tpu.core_type = #tpu.core_type<tc>, window_params = [{transform_indices = @transform_0, window_bounds = array<i64: 1, 4096, 64>}, {pipeline_mode = #tpu.pipeline_mode<synchronous>, transform_indices = @transform_1, window_bounds = array<i64: 64, 128>}, {transform_indices = @transform_2, window_bounds = array<i64: 1, 32, 128>}]} {
    %iota3A = tpu.iota {dimensions = array<i32: 1>} : vector<256x128xi32>
    %lt3A = arith.constant 7 : i32
    %lt3A_0 = vector.broadcast %lt3A : i32 to vector<256x128xi32>
    %lt3A_1 = arith.cmpi slt, %iota3A, %lt3A_0 : vector<256x128xi32>
    %convert_element_type3A = arith.sitofp %iota3A : vector<256x128xi32> to vector<256x128xf32>
    %exp23A = math.exp2 %convert_element_type3A : vector<256x128xf32>
    %jit3A = arith.constant 0.000000e+00 : f32
    %broadcast_in_dim3A = vector.broadcast %jit3A : f32 to vector<256x128xf32>
    %select_n3A = arith.select %lt3A_1, %exp23A, %broadcast_in_dim3A : vector<256x128xi1>, vector<256x128xf32>
    %broadcast_in_dim3A_2 = arith.constant 0.000000e+00 : f32
    %broadcast_in_dim3A_3 = vector.broadcast %broadcast_in_dim3A_2 : f32 to vector<1x128xf32>
    %scan3A = arith.constant 0 : i32
    %scan3A_4 = arith.constant 16 : i32
    %scan3A_5 = arith.addi %scan3A, %scan3A_4 : i32
    %scan3A_6 = arith.constant 1 : i32
    %scan3A_7 = scf.for %scan3A_37 = %scan3A to %scan3A_5 step %scan3A_6 iter_args(%scan3A_38 = %broadcast_in_dim3A_3) -> (vector<1x128xf32>)  : i32 {
      %mul3A = arith.constant 256 : i32
      %mul3A_39 = arith.muli %scan3A_37, %mul3A : i32
      %get3A_40 = arith.constant 0 : index
      %get3A_41 = arith.index_cast %mul3A_39 : i32 to index
      %get3A_42 = arith.constant 0 : index
      %get3A_43 = vector.load %arg1[%get3A_40, %get3A_41, %get3A_42] : memref<1x4096x64xf32, #tpu.memory_space<vmem>>, vector<1x256x64xf32>
      %get3A_44 = vector.shape_cast %get3A_43 : vector<1x256x64xf32> to vector<256x64xf32>
      %get3A_45 = arith.constant 0 : index
      %get3A_46 = arith.constant 0 : index
      %get3A_47 = vector.load %arg2[%get3A_45, %get3A_46] : memref<64x128xf32, #tpu.memory_space<vmem>>, vector<64x128xf32>
      %dot_general3A_48 = arith.constant dense<0.000000e+00> : vector<256x128xf32>
      %dot_general3A_49 = tpu.matmul %get3A_44, %get3A_47, %dot_general3A_48 {dimension_numbers = #tpu.dot_dimension_numbers<[1], [0], [0], [1], [0, 0, 1, 1], [], []>, transpose_lhs_hint = false} : vector<256x64xf32>, vector<64x128xf32>, vector<256x128xf32> -> vector<256x128xf32>
      %gt3A = arith.constant 0.000000e+00 : f32
      %gt3A_50 = vector.broadcast %gt3A : f32 to vector<256x128xf32>
      %gt3A_51 = arith.cmpf ogt, %dot_general3A_49, %gt3A_50 : vector<256x128xf32>
      %jit3A_52 = arith.constant 0.000000e+00 : f32
      %broadcast_in_dim3A_53 = vector.broadcast %jit3A_52 : f32 to vector<256x128xf32>
      %select_n3A_54 = arith.select %gt3A_51, %select_n3A, %broadcast_in_dim3A_53 : vector<256x128xi1>, vector<256x128xf32>
      %reduce_sum3A = arith.constant dense<0.000000e+00> : vector<256xf32>
      %reduce_sum3A_55 = vector.multi_reduction <add>, %select_n3A_54, %reduce_sum3A [1] : vector<256x128xf32> to vector<256xf32>
      %broadcast_in_dim3A_56 = vector.shape_cast %reduce_sum3A_55 : vector<256xf32> to vector<256x1xf32>
      %convert_element_type3A_57 = arith.fptosi %broadcast_in_dim3A_56 : vector<256x1xf32> to vector<256x1xi32>
      %shift_right_arithmetic3A = arith.constant 1 : i32
      %shift_right_arithmetic3A_58 = vector.broadcast %shift_right_arithmetic3A : i32 to vector<256x1xi32>
      %shift_right_arithmetic3A_59 = arith.shrsi %convert_element_type3A_57, %shift_right_arithmetic3A_58 : vector<256x1xi32>
      %xor3A = arith.xori %convert_element_type3A_57, %shift_right_arithmetic3A_59 : vector<256x1xi32>
      %eq3A = vector.broadcast %xor3A : vector<256x1xi32> to vector<256x128xi32>
      %eq3A_60 = arith.cmpi eq, %eq3A, %iota3A : vector<256x128xi32>
      %convert_element_type3A_61 = arith.extui %eq3A_60 : vector<256x128xi1> to vector<256x128xi32>
      %convert_element_type3A_62 = arith.sitofp %convert_element_type3A_61 : vector<256x128xi32> to vector<256x128xf32>
      %convert_element_type3A_63 = arith.truncf %convert_element_type3A_62 : vector<256x128xf32> to vector<256x128xbf16>
      %mul3A_64 = arith.constant 256 : i32
      %mul3A_65 = arith.muli %scan3A_37, %mul3A_64 : i32
      %swap3A_66 = arith.index_cast %mul3A_65 : i32 to index
      %swap3A_67 = arith.constant 0 : index
      %swap3A_68 = vector.load %arg4[%swap3A_66, %swap3A_67] : memref<4096x128xbf16, #tpu.memory_space<vmem>>, vector<256x128xbf16>
      tpu.vector_store %arg4[%swap3A_66, %swap3A_67], %convert_element_type3A_63 {strides = array<i32>} : memref<4096x128xbf16, #tpu.memory_space<vmem>>, vector<256x128xbf16>,
      %reduce_sum3A_69 = arith.constant dense<0.000000e+00> : vector<128xf32>
      %reduce_sum3A_70 = vector.multi_reduction <add>, %convert_element_type3A_62, %reduce_sum3A_69 [0] : vector<256x128xf32> to vector<128xf32>
      %broadcast_in_dim3A_71 = vector.shape_cast %reduce_sum3A_70 : vector<128xf32> to vector<1x128xf32>
      %add3A = arith.addf %scan3A_38, %broadcast_in_dim3A_71 : vector<1x128xf32>
      scf.yield %add3A : vector<1x128xf32>
    }
    %scan3A_8 = arith.constant 16 : i32
    %iota3A_9 = tpu.iota {dimensions = array<i32: 0>} : vector<128x128xi32>
    %iota3A_10 = tpu.iota {dimensions = array<i32: 1>} : vector<128x128xi32>
    %lt3A_11 = arith.cmpi slt, %iota3A_9, %iota3A_10 : vector<128x128xi32>
    %convert_element_type3A_12 = arith.extui %lt3A_11 : vector<128x128xi1> to vector<128x128xi32>
    %convert_element_type3A_13 = arith.sitofp %convert_element_type3A_12 : vector<128x128xi32> to vector<128x128xf32>
    %dot_general3A = arith.constant dense<0.000000e+00> : vector<1x128xf32>
    %dot_general3A_14 = tpu.matmul %scan3A_7, %convert_element_type3A_13, %dot_general3A {dimension_numbers = #tpu.dot_dimension_numbers<[1], [0], [0], [1], [0, 0, 1, 1], [], []>, transpose_lhs_hint = false} : vector<1x128xf32>, vector<128x128xf32>, vector<1x128xf32> -> vector<1x128xf32>
    %iota3A_15 = tpu.iota {dimensions = array<i32: 0>} : vector<128x128xi32>
    %iota3A_16 = tpu.iota {dimensions = array<i32: 1>} : vector<128x128xi32>
    %lt3A_17 = arith.cmpi slt, %iota3A_16, %iota3A_15 : vector<128x128xi32>
    %convert_element_type3A_18 = arith.extui %lt3A_17 : vector<128x128xi1> to vector<128x128xi32>
    %convert_element_type3A_19 = arith.sitofp %convert_element_type3A_18 : vector<128x128xi32> to vector<128x128xf32>
    %convert_element_type3A_20 = arith.truncf %convert_element_type3A_19 : vector<128x128xf32> to vector<128x128xbf16>
    %broadcast_in_dim3A_21 = arith.constant 0.000000e+00 : f32
    %broadcast_in_dim3A_22 = vector.broadcast %broadcast_in_dim3A_21 : f32 to vector<1x128xf32>
    %scan3A_23 = arith.constant 0 : i32
    %scan3A_24 = arith.constant 32 : i32
    %scan3A_25 = arith.addi %scan3A_23, %scan3A_24 : i32
    %scan3A_26 = arith.constant 1 : i32
    %scan3A_27 = scf.for %scan3A_37 = %scan3A_23 to %scan3A_25 step %scan3A_26 iter_args(%scan3A_38 = %broadcast_in_dim3A_22) -> (vector<1x128xf32>)  : i32 {
      %mul3A = arith.constant 128 : i32
      %mul3A_39 = arith.muli %scan3A_37, %mul3A : i32
      %get3A_40 = arith.index_cast %mul3A_39 : i32 to index
      %get3A_41 = arith.constant 0 : index
      %get3A_42 = vector.load %arg4[%get3A_40, %get3A_41] : memref<4096x128xbf16, #tpu.memory_space<vmem>>, vector<128x128xbf16>
      %dot_general3A_43 = arith.constant dense<0.000000e+00> : vector<128x128xf32>
      %dot_general3A_44 = tpu.matmul %convert_element_type3A_20, %get3A_42, %dot_general3A_43 {dimension_numbers = #tpu.dot_dimension_numbers<[1], [0], [0], [1], [0, 0, 1, 1], [], []>, transpose_lhs_hint = false} : vector<128x128xbf16>, vector<128x128xbf16>, vector<128x128xf32> -> vector<128x128xf32>
      %convert_element_type3A_45 = arith.extf %get3A_42 : vector<128x128xbf16> to vector<128x128xf32>
      %add3A = vector.broadcast %dot_general3A_14 : vector<1x128xf32> to vector<128x128xf32>
      %add3A_46 = arith.addf %dot_general3A_44, %add3A : vector<128x128xf32>
      %add3A_47 = vector.broadcast %scan3A_38 : vector<1x128xf32> to vector<128x128xf32>
      %add3A_48 = arith.addf %add3A_46, %add3A_47 : vector<128x128xf32>
      %mul3A_49 = arith.mulf %add3A_48, %convert_element_type3A_45 : vector<128x128xf32>
      %reduce_sum3A = arith.constant dense<0.000000e+00> : vector<128xf32>
      %reduce_sum3A_50 = vector.multi_reduction <add>, %mul3A_49, %reduce_sum3A [1] : vector<128x128xf32> to vector<128xf32>
      %broadcast_in_dim3A_51 = vector.shape_cast %reduce_sum3A_50 : vector<128xf32> to vector<128x1xf32>
      %mul3A_52 = arith.constant 128 : i32
      %mul3A_53 = arith.muli %scan3A_37, %mul3A_52 : i32
      %swap3A_54 = arith.index_cast %mul3A_53 : i32 to index
      %swap3A_55 = arith.constant 0 : index
      %swap3A_56 = vector.load %arg5[%swap3A_54, %swap3A_55] : memref<4096x1xf32, #tpu.memory_space<vmem>>, vector<128x1xf32>
      tpu.vector_store %arg5[%swap3A_54, %swap3A_55], %broadcast_in_dim3A_51 {strides = array<i32>} : memref<4096x1xf32, #tpu.memory_space<vmem>>, vector<128x1xf32>,
      %reduce_sum3A_57 = arith.constant dense<0.000000e+00> : vector<128xf32>
      %reduce_sum3A_58 = vector.multi_reduction <add>, %convert_element_type3A_45, %reduce_sum3A_57 [0] : vector<128x128xf32> to vector<128xf32>
      %broadcast_in_dim3A_59 = vector.shape_cast %reduce_sum3A_58 : vector<128xf32> to vector<1x128xf32>
      %add3A_60 = arith.addf %scan3A_38, %broadcast_in_dim3A_59 : vector<1x128xf32>
      scf.yield %add3A_60 : vector<1x128xf32>
    }
    %scan3A_28 = arith.constant 32 : i32
    %get3A = arith.constant 0 : index
    %get3A_29 = arith.constant 0 : index
    %get3A_30 = vector.load %arg5[%get3A, %get3A_29] : memref<4096x1xf32, #tpu.memory_space<vmem>>, vector<4096x1xf32>
    %convert_element_type3A_31 = arith.fptosi %get3A_30 : vector<4096x1xf32> to vector<4096x1xi32>
    %reshape3A = vector.shape_cast %convert_element_type3A_31 : vector<4096x1xi32> to vector<32x128xi32>
    %swap3A = arith.constant 0 : index
    %swap3A_32 = arith.constant 0 : index
    %swap3A_33 = arith.constant 0 : index
    %swap3A_34 = vector.load %arg3[%swap3A, %swap3A_32, %swap3A_33] : memref<1x32x128xi32, #tpu.memory_space<vmem>>, vector<1x32x128xi32>
    %swap3A_35 = vector.shape_cast %swap3A_34 : vector<1x32x128xi32> to vector<32x128xi32>
    %swap3A_36 = vector.shape_cast %reshape3A : vector<32x128xi32> to vector<1x32x128xi32>
    tpu.vector_store %arg3[%swap3A, %swap3A_32, %swap3A_33], %swap3A_36 {strides = array<i32>} : memref<1x32x128xi32, #tpu.memory_space<vmem>>, vector<1x32x128xi32>,
    return
  }
  func.func @transform_0(%arg0: i32) -> (i32, i32, i32) {
    %c0_i32 = arith.constant 0 : i32
    %c0_i32_0 = arith.constant 0 : i32
    %c0_i32_1 = arith.constant 0 : i32
    return %arg0, %c0_i32, %c0_i32_0 : i32, i32, i32
  }
  func.func @transform_1(%arg0: i32) -> (i32, i32) {
    %c0_i32 = arith.constant 0 : i32
    %c0_i32_0 = arith.constant 0 : i32
    %c0_i32_1 = arith.constant 0 : i32
    return %c0_i32, %c0_i32_0 : i32, i32
  }
  func.func @transform_2(%arg0: i32) -> (i32, i32, i32) {
    %c0_i32 = arith.constant 0 : i32
    %c0_i32_0 = arith.constant 0 : i32
    %c0_i32_1 = arith.constant 0 : i32
    return %arg0, %c0_i32, %c0_i32_0 : i32, i32, i32
  }
}

module attributes {stable_mosaic.version = 14 : i64} {
  func.func @_attn_kernel(%arg0: i32, %arg1: i32, %arg2: memref<1x256x64xf32, #tpu.memory_space<vmem>>, %arg3: memref<1x256x64xf32, #tpu.memory_space<vmem>>, %arg4: memref<1x256x64xf32, #tpu.memory_space<vmem>>, %arg5: memref<1x256x64xf32, #tpu.memory_space<vmem>>, %arg6: memref<1x256x64xf32, #tpu.memory_space<vmem>>, %arg7: memref<1x256x64xf32, #tpu.memory_space<vmem>>) attributes {dimension_semantics = [#tpu.dimension_semantics<arbitrary>, #tpu.dimension_semantics<arbitrary>], iteration_bounds = array<i64: 32, 16>, scalar_prefetch = 0 : i64, scratch_operands = 0 : i64, tpu.core_type = #tpu.core_type<tc>, window_params = [{transform_indices = @transform_0, window_bounds = array<i64: 1, 256, 64>}, {transform_indices = @transform_1, window_bounds = array<i64: 1, 256, 64>}, {transform_indices = @transform_2, window_bounds = array<i64: 1, 256, 64>}, {transform_indices = @transform_3, window_bounds = array<i64: 1, 256, 64>}, {transform_indices = @transform_4, window_bounds = array<i64: 1, 256, 64>}, {transform_indices = @transform_5, window_bounds = array<i64: 1, 256, 64>}]} {
    %get3A = arith.constant 0 : index
    %get3A_0 = arith.constant 0 : index
    %get3A_1 = arith.constant 0 : index
    %get3A_2 = vector.load %arg2[%get3A, %get3A_0, %get3A_1] : memref<1x256x64xf32, #tpu.memory_space<vmem>>, vector<1x256x64xf32>
    %get3A_3 = vector.shape_cast %get3A_2 : vector<1x256x64xf32> to vector<256x64xf32>
    %convert_element_type3A = arith.truncf %get3A_3 : vector<256x64xf32> to vector<256x64xbf16>
    %get3A_4 = arith.constant 0 : index
    %get3A_5 = arith.constant 0 : index
    %get3A_6 = arith.constant 0 : index
    %get3A_7 = vector.load %arg3[%get3A_4, %get3A_5, %get3A_6] : memref<1x256x64xf32, #tpu.memory_space<vmem>>, vector<1x256x64xf32>
    %get3A_8 = vector.shape_cast %get3A_7 : vector<1x256x64xf32> to vector<256x64xf32>
    %convert_element_type3A_9 = arith.truncf %get3A_8 : vector<256x64xf32> to vector<256x64xbf16>
    %dot_general3A = arith.constant dense<0.000000e+00> : vector<256x256xf32>
    %dot_general3A_10 = tpu.matmul %convert_element_type3A, %convert_element_type3A_9, %dot_general3A {dimension_numbers = #tpu.dot_dimension_numbers<[1], [1], [0], [0], [0, 0, 1, 0], [], []>, transpose_lhs_hint = false} : vector<256x64xbf16>, vector<256x64xbf16>, vector<256x256xf32> -> vector<256x256xf32>
    %mul3A = arith.constant 1.250000e-01 : f32
    %mul3A_11 = vector.broadcast %mul3A : f32 to vector<256x256xf32>
    %mul3A_12 = arith.mulf %dot_general3A_10, %mul3A_11 : vector<256x256xf32>
    %get3A_13 = arith.constant 0 : index
    %get3A_14 = arith.constant 0 : index
    %get3A_15 = arith.constant 0 : index
    %get3A_16 = vector.load %arg5[%get3A_13, %get3A_14, %get3A_15] : memref<1x256x64xf32, #tpu.memory_space<vmem>>, vector<1x256x64xf32>
    %get3A_17 = vector.shape_cast %get3A_16 : vector<1x256x64xf32> to vector<256x64xf32>
    %convert_element_type3A_18 = arith.truncf %get3A_17 : vector<256x64xf32> to vector<256x64xbf16>
    %dot_general3A_19 = arith.constant dense<0.000000e+00> : vector<256x256xf32>
    %dot_general3A_20 = tpu.matmul %convert_element_type3A, %convert_element_type3A_18, %dot_general3A_19 {dimension_numbers = #tpu.dot_dimension_numbers<[1], [1], [0], [0], [0, 0, 1, 0], [], []>, transpose_lhs_hint = false} : vector<256x64xbf16>, vector<256x64xbf16>, vector<256x256xf32> -> vector<256x256xf32>
    %mul3A_21 = arith.constant 1.250000e-01 : f32
    %mul3A_22 = vector.broadcast %mul3A_21 : f32 to vector<256x256xf32>
    %mul3A_23 = arith.mulf %dot_general3A_20, %mul3A_22 : vector<256x256xf32>
    %add3A = arith.constant 2.77258873 : f32
    %add3A_24 = vector.broadcast %add3A : f32 to vector<256x256xf32>
    %add3A_25 = arith.addf %mul3A_23, %add3A_24 : vector<256x256xf32>
    %reduce_max3A = arith.constant dense<0xFF800000> : vector<256xf32>
    %reduce_max3A_26 = vector.multi_reduction <maximumf>, %mul3A_12, %reduce_max3A [1] : vector<256x256xf32> to vector<256xf32>
    %broadcast_in_dim3A = vector.shape_cast %reduce_max3A_26 : vector<256xf32> to vector<256x1xf32>
    %reduce_max3A_27 = arith.constant dense<0xFF800000> : vector<256xf32>
    %reduce_max3A_28 = vector.multi_reduction <maximumf>, %add3A_25, %reduce_max3A_27 [1] : vector<256x256xf32> to vector<256xf32>
    %broadcast_in_dim3A_29 = vector.shape_cast %reduce_max3A_28 : vector<256xf32> to vector<256x1xf32>
    %max3A = arith.maximumf %broadcast_in_dim3A, %broadcast_in_dim3A_29 : vector<256x1xf32>
    %sub3A = vector.broadcast %max3A : vector<256x1xf32> to vector<256x256xf32>
    %sub3A_30 = arith.subf %mul3A_12, %sub3A : vector<256x256xf32>
    %exp3A = math.exp %sub3A_30 : vector<256x256xf32>
    %sub3A_31 = vector.broadcast %max3A : vector<256x1xf32> to vector<256x256xf32>
    %sub3A_32 = arith.subf %add3A_25, %sub3A_31 : vector<256x256xf32>
    %exp3A_33 = math.exp %sub3A_32 : vector<256x256xf32>
    %reduce_sum3A = arith.constant dense<0.000000e+00> : vector<256xf32>
    %reduce_sum3A_34 = vector.multi_reduction <add>, %exp3A, %reduce_sum3A [1] : vector<256x256xf32> to vector<256xf32>
    %broadcast_in_dim3A_35 = vector.shape_cast %reduce_sum3A_34 : vector<256xf32> to vector<256x1xf32>
    %reduce_sum3A_36 = arith.constant dense<0.000000e+00> : vector<256xf32>
    %reduce_sum3A_37 = vector.multi_reduction <add>, %exp3A_33, %reduce_sum3A_36 [1] : vector<256x256xf32> to vector<256xf32>
    %broadcast_in_dim3A_38 = vector.shape_cast %reduce_sum3A_37 : vector<256xf32> to vector<256x1xf32>
    %add3A_39 = arith.addf %broadcast_in_dim3A_35, %broadcast_in_dim3A_38 : vector<256x1xf32>
    %convert_element_type3A_40 = arith.truncf %exp3A : vector<256x256xf32> to vector<256x256xbf16>
    %get3A_41 = arith.constant 0 : index
    %get3A_42 = arith.constant 0 : index
    %get3A_43 = arith.constant 0 : index
    %get3A_44 = vector.load %arg4[%get3A_41, %get3A_42, %get3A_43] : memref<1x256x64xf32, #tpu.memory_space<vmem>>, vector<1x256x64xf32>
    %get3A_45 = vector.shape_cast %get3A_44 : vector<1x256x64xf32> to vector<256x64xf32>
    %convert_element_type3A_46 = arith.truncf %get3A_45 : vector<256x64xf32> to vector<256x64xbf16>
    %dot_general3A_47 = arith.constant dense<0.000000e+00> : vector<256x64xf32>
    %dot_general3A_48 = tpu.matmul %convert_element_type3A_40, %convert_element_type3A_46, %dot_general3A_47 {dimension_numbers = #tpu.dot_dimension_numbers<[1], [0], [0], [1], [0, 0, 1, 1], [], []>, transpose_lhs_hint = false} : vector<256x256xbf16>, vector<256x64xbf16>, vector<256x64xf32> -> vector<256x64xf32>
    %convert_element_type3A_49 = arith.truncf %exp3A_33 : vector<256x256xf32> to vector<256x256xbf16>
    %get3A_50 = arith.constant 0 : index
    %get3A_51 = arith.constant 0 : index
    %get3A_52 = arith.constant 0 : index
    %get3A_53 = vector.load %arg6[%get3A_50, %get3A_51, %get3A_52] : memref<1x256x64xf32, #tpu.memory_space<vmem>>, vector<1x256x64xf32>
    %get3A_54 = vector.shape_cast %get3A_53 : vector<1x256x64xf32> to vector<256x64xf32>
    %convert_element_type3A_55 = arith.truncf %get3A_54 : vector<256x64xf32> to vector<256x64xbf16>
    %dot_general3A_56 = arith.constant dense<0.000000e+00> : vector<256x64xf32>
    %dot_general3A_57 = tpu.matmul %convert_element_type3A_49, %convert_element_type3A_55, %dot_general3A_56 {dimension_numbers = #tpu.dot_dimension_numbers<[1], [0], [0], [1], [0, 0, 1, 1], [], []>, transpose_lhs_hint = false} : vector<256x256xbf16>, vector<256x64xbf16>, vector<256x64xf32> -> vector<256x64xf32>
    %add3A_58 = arith.addf %dot_general3A_48, %dot_general3A_57 : vector<256x64xf32>
    %div3A = vector.broadcast %add3A_39 : vector<256x1xf32> to vector<256x64xf32>
    %div3A_59 = arith.divf %add3A_58, %div3A : vector<256x64xf32>
    %swap3A = arith.constant 0 : index
    %swap3A_60 = arith.constant 0 : index
    %swap3A_61 = arith.constant 0 : index
    %swap3A_62 = vector.load %arg7[%swap3A, %swap3A_60, %swap3A_61] : memref<1x256x64xf32, #tpu.memory_space<vmem>>, vector<1x256x64xf32>
    %swap3A_63 = vector.shape_cast %swap3A_62 : vector<1x256x64xf32> to vector<256x64xf32>
    %swap3A_64 = vector.shape_cast %div3A_59 : vector<256x64xf32> to vector<1x256x64xf32>
    tpu.vector_store %arg7[%swap3A, %swap3A_60, %swap3A_61], %swap3A_64 {strides = array<i32>} : memref<1x256x64xf32, #tpu.memory_space<vmem>>, vector<1x256x64xf32>,
    return
  }
  func.func @transform_0(%arg0: i32, %arg1: i32) -> (i32, i32, i32) {
    %c0_i32 = arith.constant 0 : i32
    %c0_i32_0 = arith.constant 0 : i32
    return %arg0, %arg1, %c0_i32 : i32, i32, i32
  }
  func.func @transform_1(%arg0: i32, %arg1: i32) -> (i32, i32, i32) {
    %c0_i32 = arith.constant 0 : i32
    %c0_i32_0 = arith.constant 0 : i32
    return %arg0, %arg1, %c0_i32 : i32, i32, i32
  }
  func.func @transform_2(%arg0: i32, %arg1: i32) -> (i32, i32, i32) {
    %c0_i32 = arith.constant 0 : i32
    %c0_i32_0 = arith.constant 0 : i32
    return %arg0, %arg1, %c0_i32 : i32, i32, i32
  }
  func.func @transform_3(%arg0: i32, %arg1: i32) -> (i32, i32, i32) {
    %c0_i32 = arith.constant 0 : i32
    %c0_i32_0 = arith.constant 0 : i32
    %c0_i32_1 = arith.constant 0 : i32
    return %arg0, %c0_i32, %c0_i32_0 : i32, i32, i32
  }
  func.func @transform_4(%arg0: i32, %arg1: i32) -> (i32, i32, i32) {
    %c0_i32 = arith.constant 0 : i32
    %c0_i32_0 = arith.constant 0 : i32
    %c0_i32_1 = arith.constant 0 : i32
    return %arg0, %c0_i32, %c0_i32_0 : i32, i32, i32
  }
  func.func @transform_5(%arg0: i32, %arg1: i32) -> (i32, i32, i32) {
    %c0_i32 = arith.constant 0 : i32
    %c0_i32_0 = arith.constant 0 : i32
    return %arg0, %arg1, %c0_i32 : i32, i32, i32
  }
}

</mosaic_0001>

<sc_bundles>
// kernel: kernel.10.cloned.1.call-start
scs
__scs_entry_jumppad:
0x0: {  	(pc) =	sbr.rel $0x88, $3  }
0x1: {  	(tag) =	ssettag $0x0;
	lr =	simm.s32 $0x1  }
0x2: {  	[smem:$0x3F9D] =	sst lr;
	_ =	strace $0xD0000000  }
0x3: {  	_ = 	snop  }
0x4: {  	_ = 	snop  }
0x5: {  	_ = 	snop  }
0x6: {  	_ = 	snop  }
0x7: {  	_ = 	snop  }
__scs_overlays_trampoline_lowered:
0x8: {  	[smem:$0x3FAC] =	sst s0  }
0x9: {  	[smem:$0x3FAD] =	sst s1  }
0xa: {  	[smem:$0x3FAE] =	sst s2  }
0xb: {  	[smem:$0x3FAF] =	sst s3  }
0xc: {  	[smem:$0x3FB0] =	sst s4  }
0xd: {  	[smem:$0x3FB1] =	sst s5  }
0xe: {  	[smem:$0x3FB2] =	sst s6  }
0xf: {  	[smem:$0x3FB3] =	sst s7  }
0x10: {  	[smem:$0x3FB4] =	sst s8  }
0x11: {  	[smem:$0x3FB5] =	sst s9;
	s0 =	simm.s32 @!p0 $0x0  }
0x12: {  	s1 =	sld [smem:$0x3F9B];
	s0 =	simm.s32 @p0 $0x1  }
0x13: {  	[smem:$0x3FB6] =	sst s0;
	s0 =	simm.s32 @!p1 $0x0  }
0x14: {  	s2 =	sld [smem:$0x3F9A];
	s0 =	simm.s32 @p1 $0x1  }
0x15: {  	[smem:$0x3FB7] =	sst s0;
	s0 =	simm.s32 @!p2 $0x0  }
0x16: {  	s3 =	sld [smem:$0x3FDB];
	s0 =	simm.s32 @p2 $0x1  }
0x17: {  	s4 =	simm.s32 $0x1BF5;
	[smem:$0x3FB9] =	sst s0  }
0x18: {  	s0 =	sld [smem:$0x3F9C];
	_ =	swait.ge [sflag:s4], $0x0  }
0x19: {  	s7 =	sld [smem:$0x3F9D]  }
0x1a: {  	s8 =	sadd.s32 $0xFFFFE003, lr  }
0x1b: {  	s9 =	sadd.s32 $0xFFFFFEF7, lr;
	s5 =	simm.s32 $0xFFFFFFFF;
	p2 =	slt.u32 s8, $0xFFFFF086  }
0x1c: {  	p1 =	slt.u32 s9, $0xF7A;
	s5 =	simm.s32 @!p2 $0x0  }
0x1d: {  	s5 =	simm.s32 @p1 $0x1;
	p0 =	seq.s32 s7, s2  }
0x1e: {  	s7 =	smul.u32 @!p0 $0xF7A, s2;
	p2 =	seq.s32 @!p0 s5, $0x0  }
0x1f: {  	s9 =	smul.u32 $0xF7A, s1;
	s8 =	simm.s32 @!p0 $0x1BF5;
	p2 =	por !p2, p0  }
0x20: {  	[sflag:s8] =	ssyncset.s32 @!p0 $0xFFFFF086;
	s6 =	sadd.s32 @!p0 s3, s7;
	s7 =	simm.s32 @!p0 $0x108  }
0x21: {  	s3 =	sadd.s32 s3, s9;
	s6 =	sadd.s32 @!p0 $0x88, s6;
	s7 =	simm.s32 @p2 $0x1082  }
0x22: {  	[simem:s7], [sflag:s8] =	dma.local @!p0 [hbm:s6], $0xF7A  }
0x23: {  	s9 =	sor.u32 $0xD0000000, s2;
	s6 =	simm.s32 $0x108;
	_ =	swait.ge @!p0 [sflag:s8], $0x0  }
0x24: {  	s3 =	sadd.s32 $0x88, s3;
	s6 =	simm.s32 @!p1 $0x1082;
	[sflag:s4] =	ssyncset.s32 $0xFFFFF086  }
0x25: {  	[simem:s6], [sflag:s4] =	dma.local [hbm:s3], $0xF7A  }
0x26: {  	[smem:$0x3F9D] =	sst s1;
	(tag) =	ssettag s2;
	_ =	strace s9  }
0x27: {  	s1 =	sld [smem:$0x3FAD]  }
0x28: {  	s2 =	sld [smem:$0x3FAE]  }
0x29: {  	s4 =	sld [smem:$0x3FB0]  }
0x2a: {  	p0 =	seq.s32 s5, $0x0;
	s5 =	sld [smem:$0x3FB1]  }
0x2b: {  	s6 =	sld [smem:$0x3FB2]  }
0x2c: {  	s7 =	sld [smem:$0x3FB3]  }
0x2d: {  	s3 =	simm.s32 $0x108;
	s8 =	sld [smem:$0x3FB4]  }
0x2e: {  	s3 =	simm.s32 @!p0 $0x1082;
	s9 =	sld [smem:$0x3FB5]  }
0x2f: {  	lr =	sadd.s32 s0, s3;
	s0 =	sld [smem:$0x3FAC]  }
0x30: {  	s3 =	sld [smem:$0x3FAF]  }
0x31: {  	[smem:$0x3FB8] =	sst s10  }
0x32: {  	s10 =	sld [smem:$0x3FB6];
	_ =	sdelay $0x3  }
0x33: {  	p0 =	seq.s32 s10, $0x1;
	s10 =	sld [smem:$0x3FB8];
	_ =	sdelay $0x3  }
0x34: {  	[smem:$0x3FB8] =	sst s10  }
0x35: {  	s10 =	sld [smem:$0x3FB7];
	_ =	sdelay $0x3  }
0x36: {  	p1 =	seq.s32 s10, $0x1;
	s10 =	sld [smem:$0x3FB8];
	_ =	sdelay $0x3  }
0x37: {  	[smem:$0x3FB8] =	sst s10  }
0x38: {  	s10 =	sld [smem:$0x3FB9]  }
0x39: {  	_ = 	snop;
	(pc) =	sbr.ind lr, $3  }
0x3a: {  	_ = 	snop  }
0x3b: {  	_ = 	snop  }
0x3c: {  	p2 =	seq.s32 s10, $0x1;
	s10 =	sld [smem:$0x3FB8]  }
0x3d: {  	_ =	shalt  }
0x3e: {  	_ =	shalt  }
0x3f: {  	_ =	shalt  }
0x40: {  	_ =	shalt  }
0x41: {  	_ =	shalt  }
0x42: {  	_ =	shalt  }
0x43: {  	_ =	shalt  }
0x44: {  	_ =	shalt  }
0x45: {  	_ =	shalt  }
0x46: {  	_ =	shalt  }
0x47: {  	_ =	shalt  }
0x48: {  	_ =	shalt  }
0x49: {  	_ =	shalt  }
0x4a: {  	_ =	shalt  }
0x4b: {  	_ =	shalt  }
0x4c: {  	_ =	shalt  }
0x4d: {  	_ =	shalt  }
0x4e: {  	_ =	shalt  }
0x4f: {  	_ =	shalt  }
0x50: {  	_ =	shalt  }
0x51: {  	_ =	shalt  }
0x52: {  	_ =	shalt  }
0x53: {  	_ =	shalt  }
0x54: {  	_ =	shalt  }
0x55: {  	_ =	shalt  }
0x56: {  	_ =	shalt  }
0x57: {  	_ =	shalt  }
0x58: {  	_ =	shalt  }
0x59: {  	_ =	shalt  }
0x5a: {  	_ =	shalt  }
0x5b: {  	_ =	shalt  }
0x5c: {  	_ =	shalt  }
0x5d: {  	_ =	shalt  }
0x5e: {  	_ =	shalt  }
0x5f: {  	_ =	shalt  }
0x60: {  	_ =	shalt  }
0x61: {  	_ =	shalt  }
0x62: {  	_ =	shalt  }
0x63: {  	_ =	shalt  }
0x64: {  	_ =	shalt  }
0x65: {  	_ =	shalt  }
0x66: {  	_ =	shalt  }
0x67: {  	_ =	shalt  }
0x68: {  	_ =	shalt  }
0x69: {  	_ =	shalt  }
0x6a: {  	_ =	shalt  }
0x6b: {  	_ =	shalt  }
0x6c: {  	_ =	shalt  }
0x6d: {  	_ =	shalt  }
0x6e: {  	_ =	shalt  }
0x6f: {  	_ =	shalt  }
0x70: {  	_ =	shalt  }
0x71: {  	_ =	shalt  }
0x72: {  	_ =	shalt  }
0x73: {  	_ =	shalt  }
0x74: {  	_ =	shalt  }
0x75: {  	_ =	shalt  }
0x76: {  	_ =	shalt  }
0x77: {  	_ =	shalt  }
0x78: {  	_ =	shalt  }
0x79: {  	_ =	shalt  }
0x7a: {  	_ =	shalt  }
0x7b: {  	_ =	shalt  }
0x7c: {  	_ =	shalt  }
0x7d: {  	_ =	shalt  }
0x7e: {  	_ =	shalt  }
0x7f: {  	_ =	shalt  }
0x80: {  	_ =	shalt  }
0x81: {  	_ =	shalt  }
0x82: {  	_ =	shalt  }
0x83: {  	_ =	shalt  }
0x84: {  	_ =	shalt  }
0x85: {  	_ =	shalt  }
0x86: {  	_ =	shalt  }
0x87: {  	_ =	shalt  }
.Lfunc_end0:
.L_simem_size_0:
called_computation.2_lowered:
.L_overlay_start_0:
0x88: {  	s2 =	sld [smem:$0x3FD9]  }
0x89: {  	s3 =	sld [smem:$0x3FFE];
	_ =	sdelay $0x1  }
0x8a: {  	s1 =	srdreg.scid  }
0x8b: {  	s0 =	sand.u32 $0x1, s1  }
0x8c: {  	s17 =	sshll.u32 s0, $0xA;
	s2 =	sadd.s32 s3, s2  }
0x8d: {  	s2 =	sadd.s32 s2, s17  }
0x8e: {  	[smem:$0x3FC4] =	sst s2  }
0x8f: {  	_ = 	snop  }
0x90: {  	s2 =	sld [smem:$0x3FD0];
	(tm) =	ssettm $0x1  }
0x91: {  	s18 =	sld [smem:$0x3FFB];
	_ =	sdelay $0x3  }
0x92: {  	_ =	strace s18  }
0x93: {  	s3 =	sld [smem:$0x3FFC];
	_ =	sdelay $0x3  }
0x94: {  	_ =	strace s3  }
0x95: {  	s3 =	sld [smem:$0x3FFD];
	_ =	sdelay $0x3  }
0x96: {  	_ =	strace s3  }
0x97: {  	_ =	strace $0x8FFFFFFF  }
0x98: {  	s19 =	sld [smem:$0x3FDB];
	_ =	sdelay $0x1  }
0x99: {  	s4 =	simm.s32 $_scs_section_size  }
0x9a: {  	s5 =	simm.s32 $_size__tile_overlayer_lowered;
	s6 =	simm.s32 $_tile_overlayer_lowered  }
0x9b: {  	s22 =	simm.s32 $0x1BFF;
	s21 =	sshll.u32 s6, $0x1;
	s3 =	sadd.s32 s4, s19  }
0x9c: {  	s7 =	simm.s32 $0x0;
	s20 =	sshll.u32 s5, $0x1;
	s5 =	sadd.s32 s21, s3  }
0x9d: {  	[timem:s7], [sflag:s22] =	dma.local [hbm:s5], s20  }
0x9e: {  	_ =	swait.ge [sflag:s22], s20  }
0x9f: {  	s4 =	ssub.s32 $0x0, s20;
	[sflag:s22] =	ssyncset.done $0x0  }
0xa0: {  	[sflag:s22] =	ssyncadd.s32 s4;
	_ =	sdelay $0x1  }
0xa1: {  	s23 =	simm.s32 $0x1B8B  }
0xa2: {  	_ =	swait.ge [sflag:s23], $0x1  }
0xa3: {  	[sflag:s23] =	ssyncset.done $0x0  }
0xa4: {  	s25 =	simm.s32 $0x1B8E;
	s24 =	sld [smem:$0x3FFE];
	[sflag:s23] =	ssyncadd.s32 $0xFFFFFFFF  }
0xa5: {  	s26 =	simm.s32 $execute0_lowered;
	[smem:$0x3FD2] =	sst s25  }
0xa6: {  	s5 =	sshll.u32 s26, $0x1;
	_ =	strace $0x80000049;
	[dreg:$0x1] =	wrdreg $0xFFFFFFFF  }
0xa7: {  	s28 =	simm.s32 $_size_execute0_lowered;
	s3 =	sadd.s32 s3, s5;
	[dreg:$0x0] =	wrdreg $0x0  }
0xa8: {  	s5 =	sshll.u32 s28, $0x1;
	[dreg:$0x2] =	wrdreg s3  }
0xa9: {  	[dreg:$0x3] =	wrdreg s5  }
0xaa: {  	[dreg:$0x4] =	wrdreg $0xC0  }
0xab: {  	_ =	task [dreg:s7], $0x5FFFF  }
0xac: {  	[dreg:$0x1] =	wrdreg $0xFFFFFFFF  }
0xad: {  	[dreg:$0x0] =	wrdreg $0x60  }
0xae: {  	[dreg:$0x2] =	wrdreg s2  }
0xaf: {  	[dreg:$0x3] =	wrdreg s24  }
0xb0: {  	[dreg:$0x4] =	wrdreg $0x9  }
0xb1: {  	_ =	task.clear_ibuf [dreg:s7], $0x5FFFF;
	_ =	strace $0x90000049  }
0xb2: {  	s29 =	simm.s32 $0x9;
	_ =	strace $0x8000004B  }
0xb3: {  	_ =	swait.ge [sflag:s29], $0x1  }
0xb4: {  	[sflag:s29] =	ssyncadd.s32 $0xFFFFFFFF  }
0xb5: {  	_ =	strace $0x9000004B  }
0xb6: {  	_ =	sfence  }
0xb7: {  	s30 =	sld [smem:$0x0];
	_ =	sdelay $0x2  }
0xb8: {  	s31 =	sshll.u32 s1, $0xD;
	s1 =	sshrl.u32 s1, $0x2  }
0xb9: {  	s3 =	sand.u32 $0x4000, s31;
	s1 =	sadd.s32 s1, s30  }
0xba: {  	s0 =	sor.u32 s3, s0;
	s1 =	sshll.u32 s1, $0x11  }
0xbb: {  	s0 =	sor.u32 s1, s0  }
0xbc: {  	s0 =	sadd.s32 $0x8F2B, s0  }
0xbd: {  	[sflag:s0] =	ssyncadd.remote.s32 $0x1  }
0xbe: {  	_ =	sfence.sel $0xFFFF  }
0xbf: {  	[dreg:$0x0] =	wrdreg $0xFFFFFFFF;
	(pc) =	sbr.abs _section_cstart, $3  }
0xc0: {  	[dreg:$0x1] =	wrdreg $0xFFFFFFFF  }
0xc1: {  	_ =	task.clear_ibuf [dreg:s7], $0x2FFFF;
	_ =	strace $0x9FFFFFFF  }
0xc2: {  	(tm) =	ssettm $0x7FFFFFFF  }
0xc3: {  	_ =	shalt  }
tec
execute0_lowered:
.L_overlay_start_1:
0x0: {  	(tag) =	ssettag $0x1  }
0x1: {  	s2 =	rddreg [dreg:$0x0]  }
0x2: {  	s4 =	rddreg [dreg:$0x1];
	s3 =	srdreg.scid  }
0x3: {  	s0 =	rddreg [dreg:$0x2];
	s1 =	stileid.u32  }
0x4: {  	s10 =	simm.s32 $0x1;
	s11 =	simm.s32 $0x0;
	s5 =	sand.u32 $0x1, s3  }
0x5: {  	s3 =	simm.s32 $0x0;
	s7 =	sshll.u32 s1, $0xC;
	s30 =	sshll.u32 s1, $0xF  }
0x6: {  	s6 =	sshll.u32 s5, $0x10;
	[smem:$0x7FF] =	sst s3;
	s28 =	ssub.s32 $0x2, s5  }
0x7: {  	s5 =	sshll.u32 s5, $0x13;
	s6 =	sor.u32 s7, s6;
	_ =	strace $0x8000004A  }
0x8: {  	s8 =	sshrl.u32 s28, $0x1;
	s9 =	sadd.s32 s5, s4;
	s7 =	simm.s32 $0x2  }
0x9: {  	s6 =	sshrl.u32 s6, $0x3;
	s29 =	ssub.s32 s28, s8;
	s31 =	sadd.s32 s30, s9  }
0xa: {  	s8 =	simm.s32 $0x80;
	s9 =	simm.s32 $0x1000;
	s6 =	sadd.s32 s6, s4  }
0xb: {  	s5 =	smax.u32 s29, $0x1;
	s4 =	sadd.s32 $0x10A000, s6;
	s6 =	sadd.s32 $0x1800, s31  }
.LBB2_1:
0xc: {  	[tilespmem:s3], [sflag:$0x2] =	stream.linear.gather [hbm4b:s4+s3], $0x1000, $0x38;
	[tilespmem:$0x3000] =	vst v63  }
0xd: {  	_ =	swait.ge [sflag:s7], $0x1000  }
0xe: {  	[sflag:s7] =	ssyncset.done $0x0  }
0xf: {  	s12 =	simm.s32 $0x0;
	[sflag:s7] =	ssyncadd.s32 $0xFFFFF000  }
0x10: {  	[tilespmem:s9], [sflag:$0x1] =	stream.indirect.gather [hbm4b:s2+s8], $0x40, s12, s8, $0xb8;
	[tilespmem:$0x3000] =	vst v63  }
0x11: {  	_ =	swait.ge [sflag:s10], $0x2000  }
0x12: {  	[sflag:s10] =	ssyncset.done $0x0  }
0x13: {  	[sflag:s10] =	ssyncadd.s32 $0xFFFFE000  }
0x14: {  	[hbm4b:s6+s3] =	stream.linear.scatter [tilespmem:s9], [sflag:$0x2], $0x2000, $0x38;
	[tilespmem:$0x3000] =	vst v63  }
0x15: {  	s13 =	simm.s32 $0x200;
	_ =	swait.ge [sflag:s7], $0x2000  }
0x16: {  	s14 =	simm.s32 $0x400;
	s12 =	sadd.s32 $0x400, s6;
	[sflag:s7] =	ssyncset.done $0x0  }
.LBB2_2:
0x17: {  	s15 =	sshra.s32 s13, $0x2  }
0x18: {  	[sflag:s7] =	ssyncadd.s32 $0xFFFFE000;
	s13 =	smov.u32 s14;
	s16 =	sadd.s32 $0x200, s14  }
0x19: {  	[tilespmem:s9], [sflag:$0x1] =	stream.indirect.gather [hbm4b:s2+s8], $0x40, s15, s8, $0xb8;
	[tilespmem:$0x3000] =	vst v63  }
0x1a: {  	p0 =	sne.s32 s14, $0x3E00;
	_ =	swait.ge [sflag:s10], $0x2000  }
.Ltmp0:
0x1b: {  	[sflag:s10] =	ssyncset.done $0x0;
	(pc) =	sbr.rel @p0 .LBB2_2-.Ltmp0, $4  }
0x1c: {  	[sflag:s10] =	ssyncadd.s32 $0xFFFFE000  }
0x1d: {  	[hbm4b:s12+s3] =	stream.linear.scatter [tilespmem:s9], [sflag:$0x2], $0x2000, $0x38;
	[tilespmem:$0x3000] =	vst v63  }
0x1e: {  	_ =	swait.ge [sflag:s7], $0x2000  }
0x1f: {  	s14 =	smov.u32 s16;
	s12 =	sadd.s32 $0x400, s12;
	[sflag:s7] =	ssyncset.done $0x0  }
0x20: {  	s13 =	sshra.s32 s13, $0x2;
	[sflag:s7] =	ssyncadd.s32 $0xFFFFE000  }
0x21: {  	[tilespmem:s9], [sflag:$0x1] =	stream.indirect.gather [hbm4b:s2+s8], $0x40, s13, s8, $0xb8;
	[tilespmem:$0x3000] =	vst v63  }
0x22: {  	s11 =	sadd.s32 $0x1, s11;
	_ =	swait.ge [sflag:s10], $0x2000  }
0x23: {  	p0 =	sne.s32 s11, s5;
	[sflag:s10] =	ssyncset.done $0x0  }
.Ltmp1:
0x24: {  	[sflag:s10] =	ssyncadd.s32 $0xFFFFE000;
	(pc) =	sbr.rel @p0 .LBB2_1-.Ltmp1, $4  }
0x25: {  	[hbm4b:s12+s3] =	stream.linear.scatter [tilespmem:s9], [sflag:$0x2], $0x2000, $0x38;
	[tilespmem:$0x3000] =	vst v63  }
0x26: {  	_ =	swait.ge [sflag:s7], $0x2000  }
0x27: {  	[sflag:s7] =	ssyncset.done $0x0  }
0x28: {  	[sflag:s7] =	ssyncadd.s32 $0xFFFFE000  }
0x29: {  	_ =	sfence.sel $0x180000  }
0x2a: {  	[bflag:$0x0] =	sbarrier.arrive $0xFFFF  }
0x2b: {  	p0 =	sne.s32 s1, $0x0;
	_ =	strace $0x9000004A  }
0x2c: {  	s0 =	sadd.s32 @!p0 $0x100000, s0;
	[bflag:$0x2] =	sbarrier.arrive $0xFFFF  }
0x2d: {  	[sflag:s0] =	ssyncadd.tile.s32 @!p0 $0x1;
	_ =	shalt  }
.Lfunc_end2:
_tile_overlayer_lowered:
.L_overlay_start_2:
0x2e: {  	(tag) =	ssettag $0x2  }
0x2f: {  	s0 =	rddreg [dreg:$0x0];
	s2 =	stileid.u32  }
0x30: {  	s1 =	rddreg [dreg:$0x1];
	p0 =	sne.s32 s2, $0x0  }
0x31: {  	s3 =	rddreg [dreg:$0x2];
	[bflag:$0x3] =	sbarrier.arrive $0xFFFF;
	s2 =	simm.s32 @!p0 $0x1C02  }
0x32: {  	[timem:s3], [sflag:s2] =	dma.local @!p0 [hbm:s0], s1  }
0x33: {  	s0 =	simm.s32 @!p0 $0x2  }
0x34: {  	_ =	swait.ge @!p0 [sflag:s0], s1  }
0x35: {  	s1 =	ssub.s32 @!p0 $0x0, s1;
	[sflag:s0] =	ssyncset.done @!p0 $0x0  }
0x36: {  	[sflag:s0] =	ssyncadd.s32 @!p0 s1  }
0x37: {  	[bflag:$0x3] =	sbarrier.arrive $0xFFFF  }
0x38: {  	_ =	shalt  }

// kernel: kernel.7.cloned.1.call-start
scs
__scs_entry_jumppad:
0x0: {  	(pc) =	sbr.rel $0x88, $3  }
0x1: {  	(tag) =	ssettag $0x0;
	lr =	simm.s32 $0x1  }
0x2: {  	[smem:$0x3F9D] =	sst lr;
	_ =	strace $0xD0000000  }
0x3: {  	_ = 	snop  }
0x4: {  	_ = 	snop  }
0x5: {  	_ = 	snop  }
0x6: {  	_ = 	snop  }
0x7: {  	_ = 	snop  }
__scs_overlays_trampoline_lowered:
0x8: {  	[smem:$0x3FAC] =	sst s0  }
0x9: {  	[smem:$0x3FAD] =	sst s1  }
0xa: {  	[smem:$0x3FAE] =	sst s2  }
0xb: {  	[smem:$0x3FAF] =	sst s3  }
0xc: {  	[smem:$0x3FB0] =	sst s4  }
0xd: {  	[smem:$0x3FB1] =	sst s5  }
0xe: {  	[smem:$0x3FB2] =	sst s6  }
0xf: {  	[smem:$0x3FB3] =	sst s7  }
0x10: {  	[smem:$0x3FB4] =	sst s8  }
0x11: {  	[smem:$0x3FB5] =	sst s9;
	s0 =	simm.s32 @!p0 $0x0  }
0x12: {  	s1 =	sld [smem:$0x3F9B];
	s0 =	simm.s32 @p0 $0x1  }
0x13: {  	[smem:$0x3FB6] =	sst s0;
	s0 =	simm.s32 @!p1 $0x0  }
0x14: {  	s2 =	sld [smem:$0x3F9A];
	s0 =	simm.s32 @p1 $0x1  }
0x15: {  	[smem:$0x3FB7] =	sst s0;
	s0 =	simm.s32 @!p2 $0x0  }
0x16: {  	s3 =	sld [smem:$0x3FDB];
	s0 =	simm.s32 @p2 $0x1  }
0x17: {  	s4 =	simm.s32 $0x1BF5;
	[smem:$0x3FB9] =	sst s0  }
0x18: {  	s0 =	sld [smem:$0x3F9C];
	_ =	swait.ge [sflag:s4], $0x0  }
0x19: {  	s7 =	sld [smem:$0x3F9D]  }
0x1a: {  	s8 =	sadd.s32 $0xFFFFE003, lr  }
0x1b: {  	s9 =	sadd.s32 $0xFFFFFEF7, lr;
	s5 =	simm.s32 $0xFFFFFFFF;
	p2 =	slt.u32 s8, $0xFFFFF086  }
0x1c: {  	p1 =	slt.u32 s9, $0xF7A;
	s5 =	simm.s32 @!p2 $0x0  }
0x1d: {  	s5 =	simm.s32 @p1 $0x1;
	p0 =	seq.s32 s7, s2  }
0x1e: {  	s7 =	smul.u32 @!p0 $0xF7A, s2;
	p2 =	seq.s32 @!p0 s5, $0x0  }
0x1f: {  	s9 =	smul.u32 $0xF7A, s1;
	s8 =	simm.s32 @!p0 $0x1BF5;
	p2 =	por !p2, p0  }
0x20: {  	[sflag:s8] =	ssyncset.s32 @!p0 $0xFFFFF086;
	s6 =	sadd.s32 @!p0 s3, s7;
	s7 =	simm.s32 @!p0 $0x108  }
0x21: {  	s3 =	sadd.s32 s3, s9;
	s6 =	sadd.s32 @!p0 $0x88, s6;
	s7 =	simm.s32 @p2 $0x1082  }
0x22: {  	[simem:s7], [sflag:s8] =	dma.local @!p0 [hbm:s6], $0xF7A  }
0x23: {  	s9 =	sor.u32 $0xD0000000, s2;
	s6 =	simm.s32 $0x108;
	_ =	swait.ge @!p0 [sflag:s8], $0x0  }
0x24: {  	s3 =	sadd.s32 $0x88, s3;
	s6 =	simm.s32 @!p1 $0x1082;
	[sflag:s4] =	ssyncset.s32 $0xFFFFF086  }
0x25: {  	[simem:s6], [sflag:s4] =	dma.local [hbm:s3], $0xF7A  }
0x26: {  	[smem:$0x3F9D] =	sst s1;
	(tag) =	ssettag s2;
	_ =	strace s9  }
0x27: {  	s1 =	sld [smem:$0x3FAD]  }
0x28: {  	s2 =	sld [smem:$0x3FAE]  }
0x29: {  	s4 =	sld [smem:$0x3FB0]  }
0x2a: {  	p0 =	seq.s32 s5, $0x0;
	s5 =	sld [smem:$0x3FB1]  }
0x2b: {  	s6 =	sld [smem:$0x3FB2]  }
0x2c: {  	s7 =	sld [smem:$0x3FB3]  }
0x2d: {  	s3 =	simm.s32 $0x108;
	s8 =	sld [smem:$0x3FB4]  }
0x2e: {  	s3 =	simm.s32 @!p0 $0x1082;
	s9 =	sld [smem:$0x3FB5]  }
0x2f: {  	lr =	sadd.s32 s0, s3;
	s0 =	sld [smem:$0x3FAC]  }
0x30: {  	s3 =	sld [smem:$0x3FAF]  }
0x31: {  	[smem:$0x3FB8] =	sst s10  }
0x32: {  	s10 =	sld [smem:$0x3FB6];
	_ =	sdelay $0x3  }
0x33: {  	p0 =	seq.s32 s10, $0x1;
	s10 =	sld [smem:$0x3FB8];
	_ =	sdelay $0x3  }
0x34: {  	[smem:$0x3FB8] =	sst s10  }
0x35: {  	s10 =	sld [smem:$0x3FB7];
	_ =	sdelay $0x3  }
0x36: {  	p1 =	seq.s32 s10, $0x1;
	s10 =	sld [smem:$0x3FB8];
	_ =	sdelay $0x3  }
0x37: {  	[smem:$0x3FB8] =	sst s10  }
0x38: {  	s10 =	sld [smem:$0x3FB9]  }
0x39: {  	_ = 	snop;
	(pc) =	sbr.ind lr, $3  }
0x3a: {  	_ = 	snop  }
0x3b: {  	_ = 	snop  }
0x3c: {  	p2 =	seq.s32 s10, $0x1;
	s10 =	sld [smem:$0x3FB8]  }
0x3d: {  	_ =	shalt  }
0x3e: {  	_ =	shalt  }
0x3f: {  	_ =	shalt  }
0x40: {  	_ =	shalt  }
0x41: {  	_ =	shalt  }
0x42: {  	_ =	shalt  }
0x43: {  	_ =	shalt  }
0x44: {  	_ =	shalt  }
0x45: {  	_ =	shalt  }
0x46: {  	_ =	shalt  }
0x47: {  	_ =	shalt  }
0x48: {  	_ =	shalt  }
0x49: {  	_ =	shalt  }
0x4a: {  	_ =	shalt  }
0x4b: {  	_ =	shalt  }
0x4c: {  	_ =	shalt  }
0x4d: {  	_ =	shalt  }
0x4e: {  	_ =	shalt  }
0x4f: {  	_ =	shalt  }
0x50: {  	_ =	shalt  }
0x51: {  	_ =	shalt  }
0x52: {  	_ =	shalt  }
0x53: {  	_ =	shalt  }
0x54: {  	_ =	shalt  }
0x55: {  	_ =	shalt  }
0x56: {  	_ =	shalt  }
0x57: {  	_ =	shalt  }
0x58: {  	_ =	shalt  }
0x59: {  	_ =	shalt  }
0x5a: {  	_ =	shalt  }
0x5b: {  	_ =	shalt  }
0x5c: {  	_ =	shalt  }
0x5d: {  	_ =	shalt  }
0x5e: {  	_ =	shalt  }
0x5f: {  	_ =	shalt  }
0x60: {  	_ =	shalt  }
0x61: {  	_ =	shalt  }
0x62: {  	_ =	shalt  }
0x63: {  	_ =	shalt  }
0x64: {  	_ =	shalt  }
0x65: {  	_ =	shalt  }
0x66: {  	_ =	shalt  }
0x67: {  	_ =	shalt  }
0x68: {  	_ =	shalt  }
0x69: {  	_ =	shalt  }
0x6a: {  	_ =	shalt  }
0x6b: {  	_ =	shalt  }
0x6c: {  	_ =	shalt  }
0x6d: {  	_ =	shalt  }
0x6e: {  	_ =	shalt  }
0x6f: {  	_ =	shalt  }
0x70: {  	_ =	shalt  }
0x71: {  	_ =	shalt  }
0x72: {  	_ =	shalt  }
0x73: {  	_ =	shalt  }
0x74: {  	_ =	shalt  }
0x75: {  	_ =	shalt  }
0x76: {  	_ =	shalt  }
0x77: {  	_ =	shalt  }
0x78: {  	_ =	shalt  }
0x79: {  	_ =	shalt  }
0x7a: {  	_ =	shalt  }
0x7b: {  	_ =	shalt  }
0x7c: {  	_ =	shalt  }
0x7d: {  	_ =	shalt  }
0x7e: {  	_ =	shalt  }
0x7f: {  	_ =	shalt  }
0x80: {  	_ =	shalt  }
0x81: {  	_ =	shalt  }
0x82: {  	_ =	shalt  }
0x83: {  	_ =	shalt  }
0x84: {  	_ =	shalt  }
0x85: {  	_ =	shalt  }
0x86: {  	_ =	shalt  }
0x87: {  	_ =	shalt  }
.Lfunc_end0:
.L_simem_size_0:
called_computation.1_lowered:
.L_overlay_start_0:
0x88: {  	s2 =	sld [smem:$0x3FD9]  }
0x89: {  	s3 =	sld [smem:$0x3FFE];
	_ =	sdelay $0x1  }
0x8a: {  	s1 =	srdreg.scid  }
0x8b: {  	s0 =	sand.u32 $0x1, s1  }
0x8c: {  	s17 =	sshll.u32 s0, $0xA;
	s2 =	sadd.s32 s3, s2  }
0x8d: {  	s2 =	sadd.s32 s2, s17  }
0x8e: {  	[smem:$0x3FC4] =	sst s2  }
0x8f: {  	_ = 	snop  }
0x90: {  	s2 =	sld [smem:$0x3FD0];
	(tm) =	ssettm $0x1  }
0x91: {  	s18 =	sld [smem:$0x3FFB];
	_ =	sdelay $0x3  }
0x92: {  	_ =	strace s18  }
0x93: {  	s3 =	sld [smem:$0x3FFC];
	_ =	sdelay $0x3  }
0x94: {  	_ =	strace s3  }
0x95: {  	s3 =	sld [smem:$0x3FFD];
	_ =	sdelay $0x3  }
0x96: {  	_ =	strace s3  }
0x97: {  	_ =	strace $0x8FFFFFFF  }
0x98: {  	s19 =	sld [smem:$0x3FDB];
	_ =	sdelay $0x1  }
0x99: {  	s4 =	simm.s32 $_scs_section_size  }
0x9a: {  	s5 =	simm.s32 $_size__tile_overlayer_lowered;
	s6 =	simm.s32 $_tile_overlayer_lowered  }
0x9b: {  	s22 =	simm.s32 $0x1BFF;
	s21 =	sshll.u32 s6, $0x1;
	s3 =	sadd.s32 s4, s19  }
0x9c: {  	s7 =	simm.s32 $0x0;
	s20 =	sshll.u32 s5, $0x1;
	s5 =	sadd.s32 s21, s3  }
0x9d: {  	[timem:s7], [sflag:s22] =	dma.local [hbm:s5], s20  }
0x9e: {  	_ =	swait.ge [sflag:s22], s20  }
0x9f: {  	s4 =	ssub.s32 $0x0, s20;
	[sflag:s22] =	ssyncset.done $0x0  }
0xa0: {  	[sflag:s22] =	ssyncadd.s32 s4;
	_ =	sdelay $0x1  }
0xa1: {  	s23 =	simm.s32 $0x1B8B  }
0xa2: {  	_ =	swait.ge [sflag:s23], $0x1  }
0xa3: {  	[sflag:s23] =	ssyncset.done $0x0  }
0xa4: {  	s25 =	simm.s32 $0x1B8E;
	s24 =	sld [smem:$0x3FFE];
	[sflag:s23] =	ssyncadd.s32 $0xFFFFFFFF  }
0xa5: {  	s26 =	simm.s32 $execute0_lowered;
	[smem:$0x3FD2] =	sst s25  }
0xa6: {  	s5 =	sshll.u32 s26, $0x1;
	_ =	strace $0x80000046;
	[dreg:$0x1] =	wrdreg $0xFFFFFFFF  }
0xa7: {  	s28 =	simm.s32 $_size_execute0_lowered;
	s3 =	sadd.s32 s3, s5;
	[dreg:$0x0] =	wrdreg $0x0  }
0xa8: {  	s5 =	sshll.u32 s28, $0x1;
	[dreg:$0x2] =	wrdreg s3  }
0xa9: {  	[dreg:$0x3] =	wrdreg s5  }
0xaa: {  	[dreg:$0x4] =	wrdreg $0xC0  }
0xab: {  	_ =	task [dreg:s7], $0x5FFFF  }
0xac: {  	[dreg:$0x1] =	wrdreg $0xFFFFFFFF  }
0xad: {  	[dreg:$0x0] =	wrdreg $0x60  }
0xae: {  	[dreg:$0x2] =	wrdreg s2  }
0xaf: {  	[dreg:$0x3] =	wrdreg s24  }
0xb0: {  	[dreg:$0x4] =	wrdreg $0x9  }
0xb1: {  	_ =	task.clear_ibuf [dreg:s7], $0x5FFFF;
	_ =	strace $0x90000046  }
0xb2: {  	s29 =	simm.s32 $0x9;
	_ =	strace $0x80000048  }
0xb3: {  	_ =	swait.ge [sflag:s29], $0x1  }
0xb4: {  	[sflag:s29] =	ssyncadd.s32 $0xFFFFFFFF  }
0xb5: {  	_ =	strace $0x90000048  }
0xb6: {  	_ =	sfence  }
0xb7: {  	s30 =	sld [smem:$0x0];
	_ =	sdelay $0x2  }
0xb8: {  	s31 =	sshll.u32 s1, $0xD;
	s1 =	sshrl.u32 s1, $0x2  }
0xb9: {  	s3 =	sand.u32 $0x4000, s31;
	s1 =	sadd.s32 s1, s30  }
0xba: {  	s0 =	sor.u32 s3, s0;
	s1 =	sshll.u32 s1, $0x11  }
0xbb: {  	s0 =	sor.u32 s1, s0  }
0xbc: {  	s0 =	sadd.s32 $0x8F2B, s0  }
0xbd: {  	[sflag:s0] =	ssyncadd.remote.s32 $0x1  }
0xbe: {  	_ =	sfence.sel $0xFFFF  }
0xbf: {  	[dreg:$0x0] =	wrdreg $0xFFFFFFFF;
	(pc) =	sbr.abs _section_cstart, $3  }
0xc0: {  	[dreg:$0x1] =	wrdreg $0xFFFFFFFF  }
0xc1: {  	_ =	task.clear_ibuf [dreg:s7], $0x2FFFF;
	_ =	strace $0x9FFFFFFF  }
0xc2: {  	(tm) =	ssettm $0x7FFFFFFF  }
0xc3: {  	_ =	shalt  }
tec
execute0_lowered:
.L_overlay_start_1:
0x0: {  	(tag) =	ssettag $0x1  }
0x1: {  	s0 =	rddreg [dreg:$0x0]  }
0x2: {  	s1 =	rddreg [dreg:$0x1];
	s2 =	srdreg.scid  }
0x3: {  	s17 =	stileid.u32;
	s20 =	simm.s32 $0x3;
	s28 =	simm.s32 $0x3100  }
0x4: {  	s29 =	simm.s32 $0x4100;
	s30 =	simm.s32 $0x6200;
	s31 =	simm.s32 $0x2  }
0x5: {  	s8 =	sand.u32 $0x1, s2;
	s2 =	simm.s32 $0x0;
	s4 =	sadd.s32 $0x306000, s1  }
0x6: {  	s6 =	sadd.s32 $0x12E000, s1;
	s7 =	sadd.s32 $0x506000, s1;
	s14 =	sadd.s32 $0x10E000, s1  }
0x7: {  	s25 =	sshll.u32 s17, $0xF;
	s3 =	sshll.u32 s8, $0x4;
	[smem:$0x7FF] =	sst s2  }
0x8: {  	s9 =	ssub.s32 $0x2, s8;
	s8 =	sshll.u32 s8, $0x13;
	s11 =	sor.u32 s17, s3  }
0x9: {  	_ =	strace $0x80000047;
	s3 =	sadd.s32 $0x6000, s1;
	s13 =	sshrl.u32 s9, $0x1  }
0xa: {  	s0 =	sadd.s32 s8, s0;
	s5 =	sshll.u32 s11, $0x9;
	s21 =	sshll.u32 s11, $0x5  }
0xb: {  	s13 =	ssub.s32 s9, s13;
	s15 =	sshll.u32 s11, $0xB;
	s17 =	sadd.s32 s25, s0  }
0xc: {  	s26 =	sadd.s32 s8, s3;
	s8 =	sadd.s32 s8, s4;
	s0 =	simm.s32 $0x4180  }
0xd: {  	s10 =	sadd.s32 s5, s1;
	s12 =	sadd.s32 s21, s1;
	s5 =	sadd.s32 $0x406000, s1  }
0xe: {  	s1 =	sadd.s32 $0x11E000, s1;
	s21 =	sshll.u32 s11, $0xC;
	s16 =	sor.u32 $0x400, s15  }
0xf: {  	s18 =	sadd.s32 s25, s26;
	s19 =	sadd.s32 s25, s8;
	s25 =	simm.s32 $0x80  }
0x10: {  	s26 =	simm.s32 $0x1;
	s22 =	sadd.s32 $0x10A000, s10;
	s23 =	sadd.s32 $0x106000, s10  }
0x11: {  	s24 =	sadd.s32 $0x2000, s10;
	s11 =	sadd.s32 $0x1C00, s12;
	s12 =	smax.u32 s13, $0x1  }
0x12: {  	s13 =	sadd.s32 s14, s15;
	s14 =	sadd.s32 s14, s16;
	[dreg:$0x3] =	wrdreg s22  }
0x13: {  	s15 =	sadd.s32 s1, s15;
	s16 =	sadd.s32 s1, s16;
	[dreg:$0x4] =	wrdreg s23  }
0x14: {  	v1 =	vlaneseq.u32;
	v0 =	vmov s21;
	s1 =	simm.s32 $0x0;
	[dreg:$0x5] =	wrdreg s24;
	s24 =	simm.s32 $0x4200  }
.LBB2_1:
0x15: {  	s8 =	rddreg [dreg:$0x3]  }
0x16: {  	[tilespmem:s2], [sflag:$0x3] =	stream.linear.gather [hbm4b:s8+s2], $0x1000, $0x38;
	[tilespmem:$0x8200] =	vst v63  }
0x17: {  	_ =	swait.ge [sflag:s20], $0x1000  }
0x18: {  	[sflag:s20] =	ssyncset.done $0x0  }
0x19: {  	s9 =	simm.s32 $0x1000;
	s23 =	rddreg [dreg:$0x4];
	[sflag:s20] =	ssyncadd.s32 $0xFFFFF000  }
0x1a: {  	[tilespmem:s9], [sflag:$0x3] =	stream.linear.gather [hbm4b:s23+s2], $0x1000, $0x38;
	[tilespmem:$0x8200] =	vst v63  }
0x1b: {  	_ =	swait.ge [sflag:s20], $0x1000  }
0x1c: {  	[sflag:s20] =	ssyncset.done $0x0  }
0x1d: {  	s21 =	simm.s32 $0x2000;
	s10 =	rddreg [dreg:$0x5];
	[sflag:s20] =	ssyncadd.s32 $0xFFFFF000  }
0x1e: {  	[tilespmem:s21], [sflag:$0x3] =	stream.linear.gather [hbm4b:s10+s2], $0x1000, $0x38;
	[tilespmem:$0x8200] =	vst v63  }
0x1f: {  	_ =	swait.ge [sflag:s20], $0x1000  }
0x20: {  	[sflag:s20] =	ssyncset.done $0x0  }
0x21: {  	s22 =	simm.s32 $0x3000;
	[sflag:s20] =	ssyncadd.s32 $0xFFFFF000  }
0x22: {  	[tilespmem:s22], [sflag:$0x3] =	stream.linear.gather [hbm4b:s11+s2], $0x100, $0x38;
	[tilespmem:$0x8200] =	vst v63  }
0x23: {  	_ =	swait.ge [sflag:s20], $0x100  }
0x24: {  	[sflag:s20] =	ssyncset.done $0x0  }
0x25: {  	[sflag:s20] =	ssyncadd.s32 $0xFFFFFF00  }
0x26: {  	[tilespmem:s24], [sflag:$0x3] =	stream.linear.gather [hbm4b:s17+s2], $0x2000, $0x38;
	[tilespmem:$0x8200] =	vst v63  }
0x27: {  	_ =	swait.ge [sflag:s20], $0x2000  }
0x28: {  	[sflag:s20] =	ssyncset.done $0x0  }
0x29: {  	s23 =	simm.s32 $0x0;
	[sflag:s20] =	ssyncadd.s32 $0xFFFFE000  }
0x2a: {  	[hbm4b:s5+s25] =	stream.indirect.scatter [tilespmem:s24], [sflag:$0x1], $0x40, s23, s25, $0xb8;
	[tilespmem:$0x8200] =	vst v63  }
0x2b: {  	s8 =	smov.u32 s17;
	_ =	swait.ge [sflag:s26], $0x2000  }
0x2c: {  	s22 =	simm.s32 $0x200;
	s23 =	simm.s32 $0x400;
	[sflag:s26] =	ssyncset.done $0x0  }
.LBB2_2:
0x2d: {  	s21 =	simm.s32 $0x0  }
0x2e: {  	[sflag:s26] =	ssyncadd.s32 $0xFFFFE000;
	s8 =	sadd.s32 $0x400, s8;
	s9 =	smov.u32 s23  }
0x2f: {  	[tilespmem:s24], [sflag:$0x3] =	stream.linear.gather [hbm4b:s8+s21], $0x2000, $0x38;
	[tilespmem:$0x8200] =	vst v63  }
0x30: {  	p0 =	sne.s32 s23, $0x3E00;
	s23 =	sadd.s32 $0x200, s23;
	_ =	swait.ge [sflag:s20], $0x2000  }
.Ltmp0:
0x31: {  	[sflag:s20] =	ssyncset.done $0x0;
	(pc) =	sbr.rel @p0 .LBB2_2-.Ltmp0, $4  }
0x32: {  	s10 =	sshra.s32 s22, $0x2;
	s22 =	smov.u32 s9;
	[sflag:s20] =	ssyncadd.s32 $0xFFFFE000  }
0x33: {  	[hbm4b:s5+s25] =	stream.indirect.scatter [tilespmem:s24], [sflag:$0x1], $0x40, s10, s25, $0xb8;
	[tilespmem:$0x8200] =	vst v63  }
0x34: {  	_ =	swait.ge [sflag:s26], $0x2000  }
0x35: {  	[sflag:s26] =	ssyncset.done $0x0  }
0x36: {  	[sflag:s26] =	ssyncadd.s32 $0xFFFFE000;
	s8 =	sadd.s32 $0x400, s8  }
0x37: {  	[tilespmem:s24], [sflag:$0x3] =	stream.linear.gather [hbm4b:s8+s21], $0x2000, $0x38;
	[tilespmem:$0x8200] =	vst v63  }
0x38: {  	_ =	swait.ge [sflag:s20], $0x2000  }
0x39: {  	[sflag:s20] =	ssyncset.done $0x0  }
0x3a: {  	s22 =	sshra.s32 s22, $0x2;
	[sflag:s20] =	ssyncadd.s32 $0xFFFFE000  }
0x3b: {  	[hbm4b:s5+s25] =	stream.indirect.scatter [tilespmem:s24], [sflag:$0x1], $0x40, s22, s25, $0xb8;
	[tilespmem:$0x8200] =	vst v63  }
0x3c: {  	_ =	swait.ge [sflag:s26], $0x2000  }
0x3d: {  	[sflag:s26] =	ssyncset.done $0x0  }
0x3e: {  	[sflag:s26] =	ssyncadd.s32 $0xFFFFE000  }
0x3f: {  	[tilespmem:s24], [sflag:$0x3] =	stream.linear.gather [hbm4b:s18+s21], $0x2000, $0x38;
	[tilespmem:$0x8200] =	vst v63  }
0x40: {  	p1 =	por $0x1, $0x1;
	_ =	swait.ge [sflag:s20], $0x2000  }
.Ltmp1:
0x41: {  	[sflag:s20] =	ssyncset.done $0x0;
	(pc) =	sbr.rel @!p1 .LBB2_5-.Ltmp1, $4  }
0x42: {  	s23 =	simm.s32 $0x1000;
	[sflag:s20] =	ssyncadd.s32 $0xFFFFE000  }
0x43: {  	[hbm4b:s6+s25] =	stream.indirect.scatter [tilespmem:s24], [sflag:$0x1], $0x40, s23, s25, $0xb8;
	[tilespmem:$0x8200] =	vst v63  }
0x44: {  	_ =	swait.ge [sflag:s26], $0x2000  }
0x45: {  	s8 =	smov.u32 s18;
	s22 =	simm.s32 $0x200;
	[sflag:s26] =	ssyncset.done $0x0  }
.LBB2_4:
0x46: {  	p0 =	sne.s32 s22, $0x3E00;
	[sflag:s26] =	ssyncadd.s32 $0xFFFFE000;
	s8 =	sadd.s32 $0x400, s8  }
0x47: {  	[tilespmem:s24], [sflag:$0x3] =	stream.linear.gather [hbm4b:s8+s21], $0x2000, $0x38;
	[tilespmem:$0x8200] =	vst v63  }
0x48: {  	s9 =	smov.u32 s22;
	s22 =	sadd.s32 $0x200, s22;
	_ =	swait.ge [sflag:s20], $0x2000  }
.Ltmp2:
0x49: {  	s9 =	sshra.s32 s9, $0x2;
	[sflag:s20] =	ssyncset.done $0x0;
	(pc) =	sbr.rel @p0 .LBB2_4-.Ltmp2, $4  }
0x4a: {  	s9 =	sadd.s32 $0x1000, s9;
	[sflag:s20] =	ssyncadd.s32 $0xFFFFE000  }
0x4b: {  	[hbm4b:s6+s25] =	stream.indirect.scatter [tilespmem:s24], [sflag:$0x1], $0x40, s9, s25, $0xb8;
	[tilespmem:$0x8200] =	vst v63  }
0x4c: {  	_ =	swait.ge [sflag:s26], $0x2000  }
0x4d: {  	[sflag:s26] =	ssyncset.done $0x0  }
.LBB2_5:
.Ltmp3:
0x4e: {  	(pc) =	sbr.rel @!p1 .LBB2_10-.Ltmp3, $3  }
0x4f: {  	_ =	sdelay $0x1  }
0x50: {  	[sflag:s26] =	ssyncadd.s32 $0xFFFFE000  }
0x51: {  	s22 =	simm.s32 $0x200;
	p0 =	por $0x0, $0x0;
	s23 =	smov.u32 s19  }
0x52: {  	s21 =	simm.s32 $0x0  }
0x53: {  	[tilespmem:s24], [sflag:$0x3] =	stream.linear.gather [hbm4b:s19+s21], $0x2000, $0x38;
	[tilespmem:$0x8200] =	vst v63  }
0x54: {  	p1 =	por $0x1, $0x1;
	_ =	swait.ge [sflag:s20], $0x2000  }
.Ltmp4:
0x55: {  	[sflag:s20] =	ssyncset.done $0x0;
	(pc) =	sbr.rel @!p1 .LBB2_7-.Ltmp4, $4  }
0x56: {  	s8 =	simm.s32 $0x1000;
	[sflag:s20] =	ssyncadd.s32 $0xFFFFE000  }
0x57: {  	[hbm4b:s7+s25] =	stream.indirect.scatter [tilespmem:s24], [sflag:$0x1], $0x40, s8, s25, $0xb8;
	[tilespmem:$0x8200] =	vst v63  }
0x58: {  	p0 =	por $0x1, $0x1;
	_ =	swait.ge [sflag:s26], $0x2000  }
0x59: {  	s23 =	smov.u32 s19;
	s8 =	simm.s32 $0x400;
	[sflag:s26] =	ssyncset.done $0x0  }
.LBB2_8:
0x5a: {  	[sflag:s26] =	ssyncadd.s32 $0xFFFFE000;
	s23 =	sadd.s32 $0x400, s23;
	s9 =	smov.u32 s8  }
0x5b: {  	[tilespmem:s24], [sflag:$0x3] =	stream.linear.gather [hbm4b:s23+s21], $0x2000, $0x38;
	[tilespmem:$0x8200] =	vst v63  }
0x5c: {  	p1 =	sne.s32 s8, $0x3E00;
	s8 =	sadd.s32 $0x200, s8;
	_ =	swait.ge [sflag:s20], $0x2000  }
.Ltmp5:
0x5d: {  	s10 =	sshra.s32 s22, $0x2;
	[sflag:s20] =	ssyncset.done $0x0;
	(pc) =	sbr.rel @p1 .LBB2_8-.Ltmp5, $4  }
0x5e: {  	s10 =	sadd.s32 $0x1000, s10;
	s22 =	smov.u32 s9;
	[sflag:s20] =	ssyncadd.s32 $0xFFFFE000  }
0x5f: {  	[hbm4b:s7+s25] =	stream.indirect.scatter [tilespmem:s24], [sflag:$0x1], $0x40, s10, s25, $0xb8;
	[tilespmem:$0x8200] =	vst v63  }
0x60: {  	_ =	swait.ge [sflag:s26], $0x2000  }
0x61: {  	[sflag:s26] =	ssyncset.done $0x0  }
0x62: {  	s21 =	smov.u32 s22  }
.LBB2_10:
0x63: {  	s8 =	sadd.s32 @p0 $0x400, s23;
	s9 =	smov.u32 s19  }
0x64: {  	s22 =	simm.s32 $0x0;
	[sflag:s26] =	ssyncadd.s32 @p0 $0xFFFFE000;
	s9 =	smov.u32 @p0 s8  }
0x65: {  	[tilespmem:s24], [sflag:$0x3] =	stream.linear.gather [hbm4b:s9+s22], $0x2000, $0x38;
	[tilespmem:$0x8200] =	vst v63  }
0x66: {  	_ =	swait.ge [sflag:s20], $0x2000  }
0x67: {  	s23 =	sshra.s32 s21, $0x2;
	[sflag:s20] =	ssyncset.done $0x0  }
0x68: {  	s8 =	sadd.s32 $0x1000, s23;
	p0 =	por $0x1, $0x1;
	[sflag:s20] =	ssyncadd.s32 $0xFFFFE000  }
0x69: {  	[hbm4b:s7+s25] =	stream.indirect.scatter [tilespmem:s24], [sflag:$0x1], $0x40, s8, s25, $0xb8;
	[tilespmem:$0x8200] =	vst v63  }
.Ltmp6:
0x6a: {  	_ = 	snop;
	(pc) =	sbr.rel @!p0 .LBB2_12-.Ltmp6, $4  }
0x6b: {  	_ =	swait.ge [sflag:s26], $0x2000  }
0x6c: {  	[sflag:s26] =	ssyncset.done $0x0  }
0x6d: {  	s8 =	simm.s32 $0x2000;
	[sflag:s26] =	ssyncadd.s32 $0xFFFFE000  }
0x6e: {  	s21 =	simm.s32 $0x10;
	s23 =	simm.s32 $0x0;
	v2 =	vld [tilespmem:s8+$0x0]  }
.LBB2_11:
0x6f: {  	p0 =	sne.s32 s21, $0xFF0;
	_ =	sdelay $0x3  }
.Ltmp7:
0x70: {  	(pc) =	sbr.rel @p0 .LBB2_11-.Ltmp7, $4  }
0x71: {  	_ = 	snop  }
0x72: {  	v3 =	vor.u32 s23, v1;
	s23 =	smov.u32 s21  }
0x73: {  	s8 =	sadd.s32 $0x10, s8;
	[tilespmem:v2+s28+$0x0] =	vst.idx.msk $0xffff, v3  }
0x74: {  	s21 =	sadd.s32 $0x10, s21;
	v2 =	vld [tilespmem:s8+$0x0]  }
.LBB2_12:
0x75: {  	_ =	sdelay $0x2  }
0x76: {  	p0 =	por $0x1, $0x1  }
.Ltmp8:
0x77: {  	_ = 	snop;
	(pc) =	sbr.rel @!p0 .LBB2_14-.Ltmp8, $3  }
0x78: {  	_ =	sdelay $0x1  }
0x79: {  	v3 =	vor.u32 s23, v1  }
0x7a: {  	s8 =	simm.s32 $0x0;
	s23 =	simm.s32 $0x10;
	s21 =	simm.s32 $0x0;
	[tilespmem:v2+s28+$0x0] =	vst.idx.msk $0xffff, v3  }
.LBB2_13:
0x7b: {  	p0 =	sne.s32 s23, $0xF0;
	v2 =	vld [tilespmem:s8+$0x3000];
	_ =	sdelay $0x7  }
0x7c: {  	v2 =	vld.idx.msk [tilespmem:v2+s28+$0x0], $0xffff;
	_ =	sdelay $0x2  }
.Ltmp9:
0x7d: {  	(pc) =	sbr.rel @p0 .LBB2_13-.Ltmp9, $4  }
0x7e: {  	s8 =	sand.u32 $0x200, s22  }
0x7f: {  	s9 =	sand.u32 $0x70, s21;
	s21 =	smov.u32 s23;
	s8 =	sshrl.u32 s8, $0x2  }
0x80: {  	s22 =	sadd.s32 $0x40, s22;
	s9 =	sor.u32 s9, s8;
	v2 =	vadd.s32 v0, v2  }
0x81: {  	s23 =	sadd.s32 $0x10, s23;
	s8 =	sshra.s32 s22, $0x2;
	[tilespmem:s9+$0x4100] =	vst v2  }
.LBB2_14:
0x82: {  	v2 =	vld [tilespmem:s8+$0x3000];
	_ =	sdelay $0x7  }
0x83: {  	v2 =	vld.idx.msk [tilespmem:v2+s28+$0x0], $0xffff;
	_ =	sdelay $0x2  }
0x84: {  	s23 =	sand.u32 $0x200, s22  }
0x85: {  	s9 =	sand.u32 $0x70, s21;
	s8 =	sshrl.u32 s23, $0x2  }
0x86: {  	s8 =	sor.u32 s9, s8;
	v2 =	vadd.s32 v0, v2  }
0x87: {  	[tilespmem:s8+$0x4100] =	vst v2  }
0x88: {  	[tilespmem:s30], [sflag:$0x2] =	stream.indirect.gather [hbm4b:s3+s25], $0x40, s29, s25, $0xb8;
	[tilespmem:$0x8200] =	vst v63  }
0x89: {  	_ =	swait.ge [sflag:s31], $0x2000  }
0x8a: {  	[sflag:s31] =	ssyncset.done $0x0  }
0x8b: {  	[sflag:s31] =	ssyncadd.s32 $0xFFFFE000  }
0x8c: {  	[hbm4b:s13+s2] =	stream.linear.scatter [tilespmem:s30], [sflag:$0x3], $0x2000, $0x38;
	[tilespmem:$0x8200] =	vst v63  }
0x8d: {  	_ =	swait.ge [sflag:s20], $0x2000  }
0x8e: {  	[sflag:s20] =	ssyncset.done $0x0  }
0x8f: {  	[sflag:s20] =	ssyncadd.s32 $0xFFFFE000  }
0x90: {  	[tilespmem:s30], [sflag:$0x2] =	stream.indirect.gather [hbm4b:s3+s25], $0x40, s0, s25, $0xb8;
	[tilespmem:$0x8200] =	vst v63  }
0x91: {  	_ =	swait.ge [sflag:s31], $0x2000  }
0x92: {  	[sflag:s31] =	ssyncset.done $0x0  }
0x93: {  	[sflag:s31] =	ssyncadd.s32 $0xFFFFE000  }
0x94: {  	[hbm4b:s14+s2] =	stream.linear.scatter [tilespmem:s30], [sflag:$0x3], $0x2000, $0x38;
	[tilespmem:$0x8200] =	vst v63  }
0x95: {  	_ =	swait.ge [sflag:s20], $0x2000  }
0x96: {  	[sflag:s20] =	ssyncset.done $0x0  }
0x97: {  	[sflag:s20] =	ssyncadd.s32 $0xFFFFE000  }
0x98: {  	[tilespmem:s30], [sflag:$0x2] =	stream.indirect.gather [hbm4b:s4+s25], $0x40, s29, s25, $0xb8;
	[tilespmem:$0x8200] =	vst v63  }
0x99: {  	_ =	swait.ge [sflag:s31], $0x2000  }
0x9a: {  	[sflag:s31] =	ssyncset.done $0x0  }
0x9b: {  	[sflag:s31] =	ssyncadd.s32 $0xFFFFE000  }
0x9c: {  	[hbm4b:s15+s2] =	stream.linear.scatter [tilespmem:s30], [sflag:$0x3], $0x2000, $0x38;
	[tilespmem:$0x8200] =	vst v63  }
0x9d: {  	_ =	swait.ge [sflag:s20], $0x2000  }
0x9e: {  	[sflag:s20] =	ssyncset.done $0x0  }
0x9f: {  	[sflag:s20] =	ssyncadd.s32 $0xFFFFE000  }
0xa0: {  	[tilespmem:s30], [sflag:$0x2] =	stream.indirect.gather [hbm4b:s4+s25], $0x40, s0, s25, $0xb8;
	[tilespmem:$0x8200] =	vst v63  }
0xa1: {  	_ =	swait.ge [sflag:s31], $0x2000  }
0xa2: {  	s1 =	sadd.s32 $0x1, s1;
	[sflag:s31] =	ssyncset.done $0x0  }
0xa3: {  	p0 =	sne.s32 s1, s12;
	[sflag:s31] =	ssyncadd.s32 $0xFFFFE000  }
0xa4: {  	[hbm4b:s16+s2] =	stream.linear.scatter [tilespmem:s30], [sflag:$0x3], $0x2000, $0x38;
	[tilespmem:$0x8200] =	vst v63  }
.Ltmp10:
0xa5: {  	_ = 	snop;
	(pc) =	sbr.rel @p0 .LBB2_1-.Ltmp10, $4  }
.Ltmp11:
0xa6: {  	_ = 	snop;
	(pc) =	sbr.rel @!p0 .LBB2_15-.Ltmp11, $4  }
0xa7: {  	_ =	swait.ge [sflag:s20], $0x2000  }
0xa8: {  	[sflag:s20] =	ssyncset.done $0x0  }
0xa9: {  	[sflag:s20] =	ssyncadd.s32 $0xFFFFE000  }
0xaa: {  	_ = 	snop  }
.LBB2_7:
.Ltmp12:
0xab: {  	(pc) =	sbr.rel .LBB2_10-.Ltmp12, $2  }
0xac: {  	_ =	sdelay $0x2  }
0xad: {  	s23 =	smov.u32 s19;
	s21 =	simm.s32 $0x200  }
.LBB2_15:
0xae: {  	_ =	sfence.sel $0x180000  }
0xaf: {  	[bflag:$0x0] =	sbarrier.arrive $0xFFFF  }
0xb0: {  	_ =	strace $0x90000047  }
0xb1: {  	s0 =	stileid.u32;
	[bflag:$0x2] =	sbarrier.arrive $0xFFFF  }
0xb2: {  	p0 =	sne.s32 s0, $0x0;
	s0 =	rddreg [dreg:$0x2]  }
0xb3: {  	s0 =	sadd.s32 @!p0 $0x100000, s0  }
0xb4: {  	[sflag:s0] =	ssyncadd.tile.s32 @!p0 $0x1;
	_ =	shalt  }
.Lfunc_end2:
_tile_overlayer_lowered:
.L_overlay_start_2:
0xb5: {  	(tag) =	ssettag $0x2  }
0xb6: {  	s0 =	rddreg [dreg:$0x0];
	s2 =	stileid.u32  }
0xb7: {  	s1 =	rddreg [dreg:$0x1];
	p0 =	sne.s32 s2, $0x0  }
0xb8: {  	s3 =	rddreg [dreg:$0x2];
	[bflag:$0x3] =	sbarrier.arrive $0xFFFF;
	s2 =	simm.s32 @!p0 $0x1C03  }
0xb9: {  	[timem:s3], [sflag:s2] =	dma.local @!p0 [hbm:s0], s1  }
0xba: {  	s0 =	simm.s32 @!p0 $0x3  }
0xbb: {  	_ =	swait.ge @!p0 [sflag:s0], s1  }
0xbc: {  	s1 =	ssub.s32 @!p0 $0x0, s1;
	[sflag:s0] =	ssyncset.done @!p0 $0x0  }
0xbd: {  	[sflag:s0] =	ssyncadd.s32 @!p0 s1  }
0xbe: {  	[bflag:$0x3] =	sbarrier.arrive $0xFFFF  }
0xbf: {  	_ =	shalt  }

// kernel: sparse-core-data-format-call.cloned.1.call-start
scs
called_computation_lowered:
.L_overlay_start_0:
0x0: {  	s2 =	sld [smem:$0x3FD9]  }
0x1: {  	s3 =	sld [smem:$0x3FFE];
	_ =	sdelay $0x1  }
0x2: {  	s1 =	srdreg.scid  }
0x3: {  	s0 =	sand.u32 $0x1, s1  }
0x4: {  	s18 =	sshll.u32 s0, $0xA;
	s2 =	sadd.s32 s3, s2  }
0x5: {  	s2 =	sadd.s32 s2, s18  }
0x6: {  	[smem:$0x3FC4] =	sst s2  }
0x7: {  	_ = 	snop  }
0x8: {  	s2 =	sld [smem:$0x3FD0];
	(tm) =	ssettm $0x1  }
0x9: {  	s19 =	sld [smem:$0x3FFB];
	_ =	sdelay $0x3  }
0xa: {  	_ =	strace s19  }
0xb: {  	s3 =	sld [smem:$0x3FFC];
	_ =	sdelay $0x3  }
0xc: {  	_ =	strace s3  }
0xd: {  	s3 =	sld [smem:$0x3FFD];
	_ =	sdelay $0x3  }
0xe: {  	_ =	strace s3  }
0xf: {  	_ =	strace $0x8FFFFFFF  }
0x10: {  	s20 =	sld [smem:$0x3FDB];
	_ =	sdelay $0x1  }
0x11: {  	s4 =	simm.s32 $_scs_section_size  }
0x12: {  	s5 =	simm.s32 $_size__tile_overlayer_lowered;
	s6 =	simm.s32 $_tile_overlayer_lowered  }
0x13: {  	s23 =	simm.s32 $0x1BFF;
	s22 =	sshll.u32 s6, $0x1;
	s3 =	sadd.s32 s4, s20  }
0x14: {  	s7 =	simm.s32 $0x0;
	s21 =	sshll.u32 s5, $0x1;
	s5 =	sadd.s32 s22, s3  }
0x15: {  	[timem:s7], [sflag:s23] =	dma.local [hbm:s5], s21  }
0x16: {  	_ =	swait.ge [sflag:s23], s21  }
0x17: {  	s4 =	ssub.s32 $0x0, s21;
	[sflag:s23] =	ssyncset.done $0x0  }
0x18: {  	[sflag:s23] =	ssyncadd.s32 s4;
	_ =	sdelay $0x1  }
0x19: {  	s24 =	simm.s32 $0x1B8B  }
0x1a: {  	_ =	swait.ge [sflag:s24], $0x1  }
0x1b: {  	[sflag:s24] =	ssyncset.done $0x0  }
0x1c: {  	s26 =	simm.s32 $0x1B8E;
	s25 =	sld [smem:$0x3FFE];
	[sflag:s24] =	ssyncadd.s32 $0xFFFFFFFF  }
0x1d: {  	s27 =	simm.s32 $execute0_lowered;
	[smem:$0x3FD2] =	sst s26  }
0x1e: {  	s5 =	sshll.u32 s27, $0x1;
	_ =	strace $0x8000004C;
	[dreg:$0x1] =	wrdreg $0xFFFFFFFF  }
0x1f: {  	s28 =	simm.s32 $_size_execute0_lowered;
	s3 =	sadd.s32 s3, s5;
	[dreg:$0x0] =	wrdreg $0x0  }
0x20: {  	s5 =	sshll.u32 s28, $0x1;
	[dreg:$0x2] =	wrdreg s3  }
0x21: {  	[dreg:$0x3] =	wrdreg s5  }
0x22: {  	[dreg:$0x4] =	wrdreg $0xC0  }
0x23: {  	_ =	task [dreg:s7], $0x5FFFF  }
0x24: {  	[dreg:$0x1] =	wrdreg $0xFFFFFFFF  }
0x25: {  	[dreg:$0x0] =	wrdreg $0x60  }
0x26: {  	[dreg:$0x2] =	wrdreg s25  }
0x27: {  	[dreg:$0x3] =	wrdreg s2  }
0x28: {  	[dreg:$0x4] =	wrdreg $0x9  }
0x29: {  	_ =	task.clear_ibuf [dreg:s7], $0x5FFFF;
	_ =	strace $0x9000004C  }
0x2a: {  	s29 =	simm.s32 $0x9;
	_ =	strace $0x8000004E  }
0x2b: {  	_ =	swait.ge [sflag:s29], $0x1  }
0x2c: {  	[sflag:s29] =	ssyncadd.s32 $0xFFFFFFFF  }
0x2d: {  	_ =	strace $0x9000004E  }
0x2e: {  	_ =	sfence  }
0x2f: {  	s30 =	sld [smem:$0x0];
	_ =	sdelay $0x2  }
0x30: {  	s31 =	sshll.u32 s1, $0xD;
	s1 =	sshrl.u32 s1, $0x2  }
0x31: {  	s3 =	sand.u32 $0x4000, s31;
	s1 =	sadd.s32 s1, s30  }
0x32: {  	s0 =	sor.u32 s3, s0;
	s1 =	sshll.u32 s1, $0x11  }
0x33: {  	s0 =	sor.u32 s1, s0  }
0x34: {  	s0 =	sadd.s32 $0x8F2B, s0  }
0x35: {  	[sflag:s0] =	ssyncadd.remote.s32 $0x1  }
0x36: {  	_ =	sfence.sel $0xFFFF  }
0x37: {  	[dreg:$0x0] =	wrdreg $0xFFFFFFFF;
	(pc) =	sbr.abs _section_cstart, $3  }
0x38: {  	[dreg:$0x1] =	wrdreg $0xFFFFFFFF  }
0x39: {  	_ =	task.clear_ibuf [dreg:s7], $0x2FFFF;
	_ =	strace $0x9FFFFFFF  }
0x3a: {  	(tm) =	ssettm $0x7FFFFFFF  }
0x3b: {  	_ =	shalt  }
tec
execute0_lowered:
.L_overlay_start_1:
0x0: {  	(tag) =	ssettag $0x1  }
0x1: {  	s9 =	rddreg [dreg:$0x0]  }
0x2: {  	s1 =	rddreg [dreg:$0x1];
	s0 =	stileid.u32  }
0x3: {  	s4 =	srdreg.scid;
	s31 =	simm.s32 $0x2;
	s16 =	simm.s32 $0x0  }
0x4: {  	s11 =	simm.s32 $0x8000;
	s17 =	simm.s32 $0x0;
	s18 =	simm.s32 $0x0  }
0x5: {  	s15 =	simm.s32 $0x0;
	s2 =	sand.u32 $0x1, s0;
	s3 =	sand.u32 $0xE, s0  }
0x6: {  	s4 =	sshll.u32 s4, $0x7;
	s5 =	ssub.s32 $0x2, s2;
	s6 =	ssub.s32 $0x10, s3  }
0x7: {  	s4 =	sand.u32 $0x80, s4;
	s13 =	smov.u32 s3;
	s8 =	sand.u32 $0xE, s6  }
0x8: {  	s7 =	sshrl.u32 s5, $0x1;
	p0 =	sne.s32 s8, $0x0;
	s8 =	simm.s32 $0x1  }
0x9: {  	s5 =	sand.u32 $0x1, s5;
	s6 =	sshrl.u32 s6, $0x4;
	s8 =	simm.s32 @!p0 $0x0  }
0xa: {  	s10 =	ssub.s32 $0x1000, s4;
	s5 =	sadd.s32 s5, s7;
	s6 =	sadd.s32 s8, s6  }
0xb: {  	s14 =	smov.u32 s2;
	s28 =	sshrl.u32 s10, $0x7;
	s30 =	smul.u32 s5, s6  }
.Ltmp0:
0xc: {  	s29 =	sshrl.u32 s10, $0x8;
	s7 =	sand.u32 $0x1, s28;
	(pc) =	sbr.rel .LBB1_1-.Ltmp0, $4  }
0xd: {  	s12 =	smov.u32 s4;
	s7 =	sadd.s32 s29, s7;
	s5 =	rddreg [dreg:$0x2]  }
0xe: {  	_ =	strace $0x8000004D;
	s6 =	simm.s32 $0x1;
	s7 =	smul.u32 s7, s30  }
0xf: {  	p0 =	por $0x0, $0x0;
	s8 =	sadd.s32 $0x101800, s9;
	[sflag:s6] =	ssyncpa.u1 $0x0  }
0x10: {  	s9 =	sadd.s32 $0x111800, s9;
	[sflag:s31] =	ssyncpa.u1 $0x0;
	s10 =	sadd.s32 $0x1, s7  }
.LBB1_7:
0x11: {  	s19 =	sadd.s32 $0x100, s12  }
0x12: {  	s16 =	sadd.s32 $0x10, s13;
	s20 =	smov.u32 s13;
	p2 =	sgt.s32 s19, $0xFFF  }
0x13: {  	s20 =	smov.u32 @p2 s16  }
0x14: {  	s22 =	smov.u32 s14;
	s16 =	sadd.s32 $0x2, s14;
	p3 =	sgt.s32 s20, $0xF  }
0x15: {  	s22 =	smov.u32 @p3 s16  }
0x16: {  	s19 =	smov.u32 @p2 s4;
	p2 =	sgt.s32 s22, $0x1  }
0x17: {  	p1 =	slt.u32 s15, $0x2;
	s22 =	smov.u32 @p2 s2;
	p2 =	sne.s32 s15, s10  }
.Ltmp1:
0x18: {  	s21 =	simm.s32 @!p1 $0x2;
	(pc) =	sbr.rel @!p2 .LBB1_8-.Ltmp1, $4  }
0x19: {  	s17 =	smov.u32 s13;
	s18 =	smov.u32 s14;
	_ =	swait.ge @!p1 [sflag:s21], $0x4000  }
0x1a: {  	p0 =	por !p0, !p0;
	[sflag:s21] =	ssyncset.done @!p1 $0x0;
	s20 =	smov.u32 @p3 s3  }
0x1b: {  	s16 =	smov.u32 s12;
	[sflag:s21] =	ssyncadd.s32 @!p1 $0xFFFFC000;
	s12 =	smov.u32 s19  }
0x1c: {  	s13 =	smov.u32 s20;
	s15 =	sadd.s32 $0x1, s15;
	s14 =	smov.u32 s22  }
.LBB1_1:
0x1d: {  	p1 =	sge.u32 s15, s7  }
0x1e: {  	s19 =	sxor.u32 @!p1 $0xFFFFFFFF, s15;
	s20 =	sshll.u32 @!p1 s14, $0x14  }
0x1f: {  	s21 =	sshll.u32 @!p1 s13, $0x10;
	s23 =	sshll.u32 @!p1 s12, $0x4;
	s24 =	simm.s32 @!p1 $0x40  }
0x20: {  	s25 =	simm.s32 @!p1 $0x80;
	s19 =	sshll.u32 @!p1 s19, $0xE;
	s22 =	sadd.s32 @!p1 s20, s21  }
0x21: {  	s23 =	sand.u32 @!p1 $0xFFF0, s23;
	s20 =	sadd.s32 @!p1 s20, s9;
	s22 =	sadd.s32 @!p1 s8, s22  }
0x22: {  	s19 =	sand.u32 @!p1 $0x4000, s19;
	s20 =	sadd.s32 @!p1 s21, s20;
	s22 =	sadd.s32 @!p1 s23, s22  }
0x23: {  	[tilespmem:s19], [sflag:$0x1] =	stream.strided.gather @!p1 [hbm4b:s22+s24], $0x2000, s25, s24, $0x38;
	[tilespmem:$0x10100] =	vst v63  }
0x24: {  	s31 =	sadd.s32 $0xFFFFFFFF, s15;
	s20 =	sadd.s32 @!p1 s23, s20;
	s19 =	sor.u32 @!p1 $0x2000, s19  }
0x25: {  	[tilespmem:s19], [sflag:$0x1] =	stream.strided.gather @!p1 [hbm4b:s20+s24], $0x2000, s25, s24, $0x38;
	[tilespmem:$0x10100] =	vst v63  }
0x26: {  	p1 =	sge.u32 s31, s7  }
.Ltmp2:
0x27: {  	_ = 	snop;
	(pc) =	sbr.rel @p1 .LBB1_7-.Ltmp2, $1  }
0x28: {  	_ =	sdelay $0x3  }
0x29: {  	s19 =	simm.s32 $0x1;
	s21 =	sand.u32 $0x1, s15  }
0x2a: {  	_ =	swait.ge [sflag:s6], $0x4000;
	s19 =	simm.s32 @!p0 $0x0;
	s21 =	smul.u32 $0x10200, s21  }
0x2b: {  	p2 =	por $0x1, $0x1;
	[sflag:s6] =	ssyncset.done $0x0;
	s20 =	smul.u32 $0x10200, s19  }
0x2c: {  	s22 =	sshll.u32 s19, $0x10;
	[sflag:s6] =	ssyncadd.s32 $0xFFFFC000;
	s30 =	sshrl.u32 s21, $0x2  }
0x2d: {  	s31 =	sshrl.u32 s22, $0x2;
	s22 =	simm.s32 $0x0;
	s20 =	sshrl.u32 s20, $0x2  }
0x2e: {  	s19 =	sor.u32 $0x8000, s30;
	s21 =	sadd.s32 $0x20, s31;
	s20 =	sor.u32 $0x8000, s20  }
.LBB1_3:
0x2f: {  	s23 =	sshll.u32 s22, $0xD  }
0x30: {  	s23 =	sand.u32 $0x3FFFE000, s23  }
0x31: {  	s25 =	sadd.s32 s23, s21  }
0x32: {  	s31 =	smul.u32 $0x8100, s22;
	v3 =	vld [tilespmem:s25+$0x10]  }
0x33: {  	v1 =	vld [tilespmem:s25+$0xFFFFFFF0]  }
0x34: {  	s22 =	sshra.s32 s31, $0x2;
	v0 =	vld [tilespmem:s25+$0x0]  }
0x35: {  	s22 =	sadd.s32 s22, s20;
	v2 =	vld [tilespmem:s25+$0xFFFFFFE0]  }
0x36: {  	s23 =	sadd.s32 $0x0, s22  }
0x37: {  	p1 =	por p2, p2;
	s24 =	simm.s32 $0x4;
	s25 =	sadd.s32 $0x40, s25;
	[tilespmem:s23+$0x1830 ss:$0x81] =	vst.msk $0xffff, v3  }
.LBB1_4:
0x38: {  	v3 =	vld [tilespmem:s25+$0x10];
	p2 =	sne.s32 s24, $0x1FC;
	[tilespmem:s23+$0x810 ss:$0x81] =	vst.msk $0xffff, v1;
	s26 =	smov.u32 s24;
	s24 =	sadd.s32 $0x4, s24  }
.Ltmp3:
0x39: {  	v1 =	vld [tilespmem:s25+$0xFFFFFFF0];
	[tilespmem:s23+$0x1020 ss:$0x81] =	vst.msk $0xffff, v0;
	(pc) =	sbr.rel @p2 .LBB1_4-.Ltmp3, $4  }
0x3a: {  	v0 =	vld [tilespmem:s25+$0x0];
	[tilespmem:s23+$0x0 ss:$0x81] =	vst.msk $0xffff, v2  }
0x3b: {  	s23 =	sshra.s32 s26, $0x2;
	v2 =	vld [tilespmem:s25+$0xFFFFFFE0]  }
0x3c: {  	s23 =	sadd.s32 s23, s22  }
0x3d: {  	s25 =	sadd.s32 $0x40, s25;
	[tilespmem:s23+$0x1830 ss:$0x81] =	vst.msk $0xffff, v3  }
.Ltmp4:
0x3e: {  	(pc) =	sbr.rel @p1 .LBB1_3-.Ltmp4, $4  }
0x3f: {  	_ = 	snop  }
0x40: {  	[tilespmem:s23+$0x810 ss:$0x81] =	vst.msk $0xffff, v1  }
0x41: {  	[tilespmem:s23+$0x1020 ss:$0x81] =	vst.msk $0xffff, v0  }
0x42: {  	s22 =	simm.s32 $0x1;
	p2 =	por $0x0, $0x0;
	[tilespmem:s23+$0x0 ss:$0x81] =	vst.msk $0xffff, v2  }
0x43: {  	s20 =	sshll.u32 s16, $0x3;
	s21 =	sand.u32 $0x78, s16  }
0x44: {  	s18 =	sshll.u32 s18, $0x13;
	s17 =	sshll.u32 s17, $0xF;
	s29 =	sand.u32 $0x7E00, s16  }
.Ltmp5:
0x45: {  	s20 =	sand.u32 $0xC00, s20;
	s18 =	sadd.s32 s1, s18;
	(pc) =	sbr.rel .LBB1_7-.Ltmp5, $4  }
0x46: {  	s30 =	sand.u32 $0x7, s16;
	s20 =	sor.u32 s21, s20;
	s17 =	sadd.s32 s17, s18  }
0x47: {  	s16 =	sshll.u32 s30, $0x12;
	s31 =	sshrl.u32 s20, $0x3;
	s17 =	sadd.s32 s29, s17  }
0x48: {  	s16 =	sor.u32 $0x400, s16;
	s17 =	sadd.s32 s31, s17  }
0x49: {  	[hbm4b:s17+s16] =	stream.strided.scatter [tilespmem:s19], [sflag:$0x2], $0x4000, s11, s16, $0x20;
	[tilespmem:$0x10100] =	vst v63  }
.LBB1_8:
0x4a: {  	_ =	sfence.sel $0x180000  }
0x4b: {  	s1 =	simm.s32 $0x1;
	[bflag:$0x0] =	sbarrier.arrive $0xFFFF  }
0x4c: {  	s31 =	simm.s32 $0x2;
	[sflag:s1] =	ssyncpa.u1 $0x1  }
0x4d: {  	[sflag:s31] =	ssyncpa.u1 $0x1  }
0x4e: {  	p0 =	sne.s32 s0, $0x0;
	_ =	strace $0x9000004D  }
0x4f: {  	s0 =	sadd.s32 @!p0 $0x100000, s5;
	[bflag:$0x2] =	sbarrier.arrive $0xFFFF  }
0x50: {  	[sflag:s0] =	ssyncadd.tile.s32 @!p0 $0x1;
	_ =	shalt  }
.Lfunc_end1:
_tile_overlayer_lowered:
.L_overlay_start_2:
0x51: {  	(tag) =	ssettag $0x2  }
0x52: {  	s0 =	rddreg [dreg:$0x0];
	s2 =	stileid.u32  }
0x53: {  	s1 =	rddreg [dreg:$0x1];
	p0 =	sne.s32 s2, $0x0  }
0x54: {  	s3 =	rddreg [dreg:$0x2];
	[bflag:$0x3] =	sbarrier.arrive $0xFFFF;
	s2 =	simm.s32 @!p0 $0x1C01  }
0x55: {  	[timem:s3], [sflag:s2] =	dma.local @!p0 [hbm:s0], s1  }
0x56: {  	s0 =	simm.s32 @!p0 $0x1  }
0x57: {  	_ =	swait.ge @!p0 [sflag:s0], s1  }
0x58: {  	s1 =	ssub.s32 @!p0 $0x0, s1;
	[sflag:s0] =	ssyncset.done @!p0 $0x0  }
0x59: {  	[sflag:s0] =	ssyncadd.s32 @!p0 s1  }
0x5a: {  	[bflag:$0x3] =	sbarrier.arrive $0xFFFF  }
0x5b: {  	_ =	shalt  }

</sc_bundles>
